<compile_context>
chip_gen: v7x
topology: tpu7x:2x2x1
jax: 0.10.2.dev20260603
libtpu: 0.0.44.dev20260713+nightly
codegen_flags: <defaults>
</compile_context>

<pallas_src>
import functools

import jax
import jax.numpy as jnp
from jax import lax
from jax.experimental import pallas as pl
from jax.experimental.pallas import tpu as pltpu
from jax.experimental.pallas import tpu_sc as plsc

EMB_DIM = 64
WIDE = 2 * EMB_DIM
NBUF = 8

_info = plsc.get_sparse_core_info()
NC, NS = _info.num_cores, _info.num_subcores
NW = NC * NS


def _make_gather(n_rows, n_cols):
    r_per_w = n_rows // NW
    n_outer = r_per_w // NBUF
    mesh = plsc.VectorSubcoreMesh(core_axis_name="c", subcore_axis_name="s")

    @functools.partial(
        pl.kernel,
        mesh=mesh,
        out_type=jax.ShapeDtypeStruct((n_rows, n_cols, EMB_DIM), jnp.float32),
        compiler_params=pltpu.CompilerParams(use_tc_tiling_on_sc=False),
        scratch_types=[
            pltpu.VMEM((r_per_w, n_cols), jnp.int32),
            pltpu.VMEM((NBUF, n_cols, WIDE), jnp.float32),
        ]
        + [pltpu.SemaphoreType.DMA] * (2 * NBUF),
    )
    def gather_kernel(table_hbm, idx_hbm, out_hbm, idx_v, bufs, *sems):
        gsem = sems[:NBUF]
        wsem = sems[NBUF:]
        wid = lax.axis_index("s") * NC + lax.axis_index("c")
        base = wid * r_per_w
        pltpu.sync_copy(idx_hbm.at[pl.ds(base, r_per_w)], idx_v)

        def gather(j, b):
            return pltpu.make_async_copy(
                table_hbm.at[idx_v.at[j]], bufs.at[b], gsem[b])

        def write(j, b):
            return pltpu.make_async_copy(
                bufs.at[b, :, pl.ds(0, EMB_DIM)], out_hbm.at[base + j], wsem[b])

        for b in range(NBUF):
            gather(b, b).start()

        def outer(g, carry):
            for b in range(NBUF):
                j = g * NBUF + b
                gather(j, b).wait()
                write(j, b).start()
                nxt = j + NBUF

                @pl.when(nxt < r_per_w)
                def _():
                    write(j, b).wait()
                    gather(nxt, b).start()

            return carry

        lax.fori_loop(0, n_outer, outer, 0)
        for b in range(NBUF):
            write(r_per_w - NBUF + b, b).wait()

    return gather_kernel


_gather = _make_gather(4096, 50)


def kernel(x, table):
    t128 = jnp.pad(table, ((0, 0), (0, WIDE - EMB_DIM)))
    return _gather(t128, x)

# --- scband reference (transcript-rebuilt; emitter-appended) ---
"""Pipeline reference for scband-scaled-embedding-2516850836142 (READ-ONLY COPY).

The authoritative reference and input builder live on the scoring server;
editing this copy changes nothing except your own understanding.
"""

import jax, jax.numpy as jnp
import numpy as np

NUM_EMBEDDINGS = 1000000
EMBEDDING_DIM = 64
SCALE = 1.0


def setup_inputs(seed: int = 0) -> dict:
    key = jax.random.key(seed)
    k1, k2 = jax.random.split(key)
    x = jax.random.randint(k1, (4096, 50), 0, NUM_EMBEDDINGS, dtype=jnp.int64 if jax.config.jax_enable_x64 else jnp.int32)
    # nn.Embedding default init: N(0, 1)
    table = jax.random.normal(k2, (NUM_EMBEDDINGS, EMBEDDING_DIM), dtype=jnp.float32)
    return {"x": x, "table": table}


def reference(x, table):
    out = jnp.take(table, x, axis=0)
    return out * SCALE

if __name__ == "__main__":
    import jax
    _d = setup_inputs()
    print(jax.jit(kernel)(*tuple(_d.values())))

</pallas_src>

<mosaic_0001>
#map = affine_map<(d0, d1) -> (0, 0)>
#map1 = affine_map<(d0, d1) -> (0, 0, 0)>
module attributes {stable_mosaic.version = 14 : i64} {
  func.func @gather_kernel(%arg0: i32, %arg1: i32, %arg2: memref<1000000x128xf32, #tpu.memory_space<hbm>>, %arg3: memref<4096x50xi32, #tpu.memory_space<hbm>>, %arg4: memref<4096x50x64xf32, #tpu.memory_space<hbm>>, %arg5: memref<128x50xi32, #tpu.memory_space<vmem>>, %arg6: memref<8x50x128xf32, #tpu.memory_space<vmem>>, %arg7: memref<!tpu.dma_semaphore, #tpu.memory_space<semaphore_mem>>, %arg8: memref<!tpu.dma_semaphore, #tpu.memory_space<semaphore_mem>>, %arg9: memref<!tpu.dma_semaphore, #tpu.memory_space<semaphore_mem>>, %arg10: memref<!tpu.dma_semaphore, #tpu.memory_space<semaphore_mem>>, %arg11: memref<!tpu.dma_semaphore, #tpu.memory_space<semaphore_mem>>, %arg12: memref<!tpu.dma_semaphore, #tpu.memory_space<semaphore_mem>>, %arg13: memref<!tpu.dma_semaphore, #tpu.memory_space<semaphore_mem>>, %arg14: memref<!tpu.dma_semaphore, #tpu.memory_space<semaphore_mem>>, %arg15: memref<!tpu.dma_semaphore, #tpu.memory_space<semaphore_mem>>, %arg16: memref<!tpu.dma_semaphore, #tpu.memory_space<semaphore_mem>>, %arg17: memref<!tpu.dma_semaphore, #tpu.memory_space<semaphore_mem>>, %arg18: memref<!tpu.dma_semaphore, #tpu.memory_space<semaphore_mem>>, %arg19: memref<!tpu.dma_semaphore, #tpu.memory_space<semaphore_mem>>, %arg20: memref<!tpu.dma_semaphore, #tpu.memory_space<semaphore_mem>>, %arg21: memref<!tpu.dma_semaphore, #tpu.memory_space<semaphore_mem>>, %arg22: memref<!tpu.dma_semaphore, #tpu.memory_space<semaphore_mem>>) attributes {dimension_semantics = [#tpu.dimension_semantics<core_parallel>, #tpu.dimension_semantics<subcore_parallel>], iteration_bounds = array<i64: 2, 16>, scalar_prefetch = 0 : i64, scratch_operands = 18 : i64, tpu.core_type = #tpu.core_type<sc_vector_subcore>, window_params = [{transform_indices = #map}, {transform_indices = #map}, {transform_indices = #map1}]} {
    %mul3A = arith.constant 2 : i32
    %mul3A_0 = arith.muli %arg1, %mul3A : i32
    %add3A = arith.addi %mul3A_0, %arg0 : i32
    %mul3A_1 = arith.constant 128 : i32
    %mul3A_2 = arith.muli %add3A, %mul3A_1 : i32
    "tpu.region"() ({
      %run_scoped3A = tpu.sem_alloc : memref<!tpu.dma_semaphore, #tpu.memory_space<semaphore_mem>>
      %dma_start3A_254 = arith.constant 0 : i32
      %dma_start3A_255 = tpu.memref_slice %arg3[%mul3A_2, %dma_start3A_254] : memref<4096x50xi32, #tpu.memory_space<hbm>> -> memref<128x50xi32, #tpu.memory_space<hbm>>
      %dma_start3A_256 = arith.constant 0 : i32
      %dma_start3A_257 = tpu.memref_slice %arg3[%mul3A_2, %dma_start3A_256] : memref<4096x50xi32, #tpu.memory_space<hbm>> -> memref<128x50xi32, #tpu.memory_space<hbm>>
      tpu.enqueue_dma source(%dma_start3A_257 : memref<128x50xi32, #tpu.memory_space<hbm>>) target(%arg5 : memref<128x50xi32, #tpu.memory_space<vmem>>) target_semaphore(%run_scoped3A : memref<!tpu.dma_semaphore, #tpu.memory_space<semaphore_mem>>)
      %dma_wait3A_258 = arith.constant 0 : i32
      %dma_wait3A_259 = tpu.memref_slice %arg3[%mul3A_2, %dma_wait3A_258] : memref<4096x50xi32, #tpu.memory_space<hbm>> -> memref<128x50xi32, #tpu.memory_space<hbm>>
      %dma_wait3A_260 = arith.constant 0 : i32
      %dma_wait3A_261 = tpu.memref_slice %arg3[%mul3A_2, %dma_wait3A_260] : memref<4096x50xi32, #tpu.memory_space<hbm>> -> memref<128x50xi32, #tpu.memory_space<hbm>>
      tpu.wait_dma2 semaphore(%run_scoped3A : memref<!tpu.dma_semaphore, #tpu.memory_space<semaphore_mem>>) src(%dma_wait3A_261 : memref<128x50xi32, #tpu.memory_space<hbm>>) dst(%arg5 : memref<128x50xi32, #tpu.memory_space<vmem>>)
      tpu.yield
    }) : () -> ()
    %dma_start3A = arith.constant 0 : i32
    %dma_start3A_3 = arith.constant 0 : i32
    %dma_start3A_4 = arith.constant 0 : i32
    %dma_start3A_5 = arith.constant 0 : i32
    %dma_start3A_6 = tpu.memref_slice %arg6[%dma_start3A_3, %dma_start3A_4, %dma_start3A_5] : memref<8x50x128xf32, #tpu.memory_space<vmem>> -> memref<1x50x128xf32, #tpu.memory_space<vmem>>
    %dma_start3A_7 = tpu.memref_squeeze %dma_start3A_6 : memref<1x50x128xf32, #tpu.memory_space<vmem>> -> memref<50x128xf32, #tpu.memory_space<vmem>>
    %dma_start3A_8 = arith.constant 0 : i32
    %dma_start3A_9 = tpu.memref_slice %arg5[%dma_start3A, %dma_start3A_8] : memref<128x50xi32, #tpu.memory_space<vmem>> -> memref<1x50xi32, #tpu.memory_space<vmem>>
    %dma_start3A_10 = tpu.memref_squeeze %dma_start3A_9 : memref<1x50xi32, #tpu.memory_space<vmem>> -> memref<50xi32, #tpu.memory_space<vmem>>
    %dma_start3A_11 = arith.constant 0 : i32
    %dma_start3A_12 = arith.constant 0 : i32
    %dma_start3A_13 = tpu.memref_slice %arg2[%dma_start3A_11, %dma_start3A_12] : memref<1000000x128xf32, #tpu.memory_space<hbm>> -> memref<1000000x128xf32, #tpu.memory_space<hbm>>
    tpu.enqueue_indirect_dma source(%dma_start3A_13 : memref<1000000x128xf32, #tpu.memory_space<hbm>>) target(%dma_start3A_7 : memref<50x128xf32, #tpu.memory_space<vmem>>) offsets(%dma_start3A_10 : memref<50xi32, #tpu.memory_space<vmem>>) semaphore(%arg7 : memref<!tpu.dma_semaphore, #tpu.memory_space<semaphore_mem>>)
    %dma_start3A_14 = arith.constant 1 : i32
    %dma_start3A_15 = arith.constant 1 : i32
    %dma_start3A_16 = arith.constant 0 : i32
    %dma_start3A_17 = arith.constant 0 : i32
    %dma_start3A_18 = tpu.memref_slice %arg6[%dma_start3A_15, %dma_start3A_16, %dma_start3A_17] : memref<8x50x128xf32, #tpu.memory_space<vmem>> -> memref<1x50x128xf32, #tpu.memory_space<vmem>>
    %dma_start3A_19 = tpu.memref_squeeze %dma_start3A_18 : memref<1x50x128xf32, #tpu.memory_space<vmem>> -> memref<50x128xf32, #tpu.memory_space<vmem>>
    %dma_start3A_20 = arith.constant 0 : i32
    %dma_start3A_21 = tpu.memref_slice %arg5[%dma_start3A_14, %dma_start3A_20] : memref<128x50xi32, #tpu.memory_space<vmem>> -> memref<1x50xi32, #tpu.memory_space<vmem>>
    %dma_start3A_22 = tpu.memref_squeeze %dma_start3A_21 : memref<1x50xi32, #tpu.memory_space<vmem>> -> memref<50xi32, #tpu.memory_space<vmem>>
    %dma_start3A_23 = arith.constant 0 : i32
    %dma_start3A_24 = arith.constant 0 : i32
    %dma_start3A_25 = tpu.memref_slice %arg2[%dma_start3A_23, %dma_start3A_24] : memref<1000000x128xf32, #tpu.memory_space<hbm>> -> memref<1000000x128xf32, #tpu.memory_space<hbm>>
    tpu.enqueue_indirect_dma source(%dma_start3A_25 : memref<1000000x128xf32, #tpu.memory_space<hbm>>) target(%dma_start3A_19 : memref<50x128xf32, #tpu.memory_space<vmem>>) offsets(%dma_start3A_22 : memref<50xi32, #tpu.memory_space<vmem>>) semaphore(%arg8 : memref<!tpu.dma_semaphore, #tpu.memory_space<semaphore_mem>>)
    %dma_start3A_26 = arith.constant 2 : i32
    %dma_start3A_27 = arith.constant 2 : i32
    %dma_start3A_28 = arith.constant 0 : i32
    %dma_start3A_29 = arith.constant 0 : i32
    %dma_start3A_30 = tpu.memref_slice %arg6[%dma_start3A_27, %dma_start3A_28, %dma_start3A_29] : memref<8x50x128xf32, #tpu.memory_space<vmem>> -> memref<1x50x128xf32, #tpu.memory_space<vmem>>
    %dma_start3A_31 = tpu.memref_squeeze %dma_start3A_30 : memref<1x50x128xf32, #tpu.memory_space<vmem>> -> memref<50x128xf32, #tpu.memory_space<vmem>>
    %dma_start3A_32 = arith.constant 0 : i32
    %dma_start3A_33 = tpu.memref_slice %arg5[%dma_start3A_26, %dma_start3A_32] : memref<128x50xi32, #tpu.memory_space<vmem>> -> memref<1x50xi32, #tpu.memory_space<vmem>>
    %dma_start3A_34 = tpu.memref_squeeze %dma_start3A_33 : memref<1x50xi32, #tpu.memory_space<vmem>> -> memref<50xi32, #tpu.memory_space<vmem>>
    %dma_start3A_35 = arith.constant 0 : i32
    %dma_start3A_36 = arith.constant 0 : i32
    %dma_start3A_37 = tpu.memref_slice %arg2[%dma_start3A_35, %dma_start3A_36] : memref<1000000x128xf32, #tpu.memory_space<hbm>> -> memref<1000000x128xf32, #tpu.memory_space<hbm>>
    tpu.enqueue_indirect_dma source(%dma_start3A_37 : memref<1000000x128xf32, #tpu.memory_space<hbm>>) target(%dma_start3A_31 : memref<50x128xf32, #tpu.memory_space<vmem>>) offsets(%dma_start3A_34 : memref<50xi32, #tpu.memory_space<vmem>>) semaphore(%arg9 : memref<!tpu.dma_semaphore, #tpu.memory_space<semaphore_mem>>)
    %dma_start3A_38 = arith.constant 3 : i32
    %dma_start3A_39 = arith.constant 3 : i32
    %dma_start3A_40 = arith.constant 0 : i32
    %dma_start3A_41 = arith.constant 0 : i32
    %dma_start3A_42 = tpu.memref_slice %arg6[%dma_start3A_39, %dma_start3A_40, %dma_start3A_41] : memref<8x50x128xf32, #tpu.memory_space<vmem>> -> memref<1x50x128xf32, #tpu.memory_space<vmem>>
    %dma_start3A_43 = tpu.memref_squeeze %dma_start3A_42 : memref<1x50x128xf32, #tpu.memory_space<vmem>> -> memref<50x128xf32, #tpu.memory_space<vmem>>
    %dma_start3A_44 = arith.constant 0 : i32
    %dma_start3A_45 = tpu.memref_slice %arg5[%dma_start3A_38, %dma_start3A_44] : memref<128x50xi32, #tpu.memory_space<vmem>> -> memref<1x50xi32, #tpu.memory_space<vmem>>
    %dma_start3A_46 = tpu.memref_squeeze %dma_start3A_45 : memref<1x50xi32, #tpu.memory_space<vmem>> -> memref<50xi32, #tpu.memory_space<vmem>>
    %dma_start3A_47 = arith.constant 0 : i32
    %dma_start3A_48 = arith.constant 0 : i32
    %dma_start3A_49 = tpu.memref_slice %arg2[%dma_start3A_47, %dma_start3A_48] : memref<1000000x128xf32, #tpu.memory_space<hbm>> -> memref<1000000x128xf32, #tpu.memory_space<hbm>>
    tpu.enqueue_indirect_dma source(%dma_start3A_49 : memref<1000000x128xf32, #tpu.memory_space<hbm>>) target(%dma_start3A_43 : memref<50x128xf32, #tpu.memory_space<vmem>>) offsets(%dma_start3A_46 : memref<50xi32, #tpu.memory_space<vmem>>) semaphore(%arg10 : memref<!tpu.dma_semaphore, #tpu.memory_space<semaphore_mem>>)
    %dma_start3A_50 = arith.constant 4 : i32
    %dma_start3A_51 = arith.constant 4 : i32
    %dma_start3A_52 = arith.constant 0 : i32
    %dma_start3A_53 = arith.constant 0 : i32
    %dma_start3A_54 = tpu.memref_slice %arg6[%dma_start3A_51, %dma_start3A_52, %dma_start3A_53] : memref<8x50x128xf32, #tpu.memory_space<vmem>> -> memref<1x50x128xf32, #tpu.memory_space<vmem>>
    %dma_start3A_55 = tpu.memref_squeeze %dma_start3A_54 : memref<1x50x128xf32, #tpu.memory_space<vmem>> -> memref<50x128xf32, #tpu.memory_space<vmem>>
    %dma_start3A_56 = arith.constant 0 : i32
    %dma_start3A_57 = tpu.memref_slice %arg5[%dma_start3A_50, %dma_start3A_56] : memref<128x50xi32, #tpu.memory_space<vmem>> -> memref<1x50xi32, #tpu.memory_space<vmem>>
    %dma_start3A_58 = tpu.memref_squeeze %dma_start3A_57 : memref<1x50xi32, #tpu.memory_space<vmem>> -> memref<50xi32, #tpu.memory_space<vmem>>
    %dma_start3A_59 = arith.constant 0 : i32
    %dma_start3A_60 = arith.constant 0 : i32
    %dma_start3A_61 = tpu.memref_slice %arg2[%dma_start3A_59, %dma_start3A_60] : memref<1000000x128xf32, #tpu.memory_space<hbm>> -> memref<1000000x128xf32, #tpu.memory_space<hbm>>
    tpu.enqueue_indirect_dma source(%dma_start3A_61 : memref<1000000x128xf32, #tpu.memory_space<hbm>>) target(%dma_start3A_55 : memref<50x128xf32, #tpu.memory_space<vmem>>) offsets(%dma_start3A_58 : memref<50xi32, #tpu.memory_space<vmem>>) semaphore(%arg11 : memref<!tpu.dma_semaphore, #tpu.memory_space<semaphore_mem>>)
    %dma_start3A_62 = arith.constant 5 : i32
    %dma_start3A_63 = arith.constant 5 : i32
    %dma_start3A_64 = arith.constant 0 : i32
    %dma_start3A_65 = arith.constant 0 : i32
    %dma_start3A_66 = tpu.memref_slice %arg6[%dma_start3A_63, %dma_start3A_64, %dma_start3A_65] : memref<8x50x128xf32, #tpu.memory_space<vmem>> -> memref<1x50x128xf32, #tpu.memory_space<vmem>>
    %dma_start3A_67 = tpu.memref_squeeze %dma_start3A_66 : memref<1x50x128xf32, #tpu.memory_space<vmem>> -> memref<50x128xf32, #tpu.memory_space<vmem>>
    %dma_start3A_68 = arith.constant 0 : i32
    %dma_start3A_69 = tpu.memref_slice %arg5[%dma_start3A_62, %dma_start3A_68] : memref<128x50xi32, #tpu.memory_space<vmem>> -> memref<1x50xi32, #tpu.memory_space<vmem>>
    %dma_start3A_70 = tpu.memref_squeeze %dma_start3A_69 : memref<1x50xi32, #tpu.memory_space<vmem>> -> memref<50xi32, #tpu.memory_space<vmem>>
    %dma_start3A_71 = arith.constant 0 : i32
    %dma_start3A_72 = arith.constant 0 : i32
    %dma_start3A_73 = tpu.memref_slice %arg2[%dma_start3A_71, %dma_start3A_72] : memref<1000000x128xf32, #tpu.memory_space<hbm>> -> memref<1000000x128xf32, #tpu.memory_space<hbm>>
    tpu.enqueue_indirect_dma source(%dma_start3A_73 : memref<1000000x128xf32, #tpu.memory_space<hbm>>) target(%dma_start3A_67 : memref<50x128xf32, #tpu.memory_space<vmem>>) offsets(%dma_start3A_70 : memref<50xi32, #tpu.memory_space<vmem>>) semaphore(%arg12 : memref<!tpu.dma_semaphore, #tpu.memory_space<semaphore_mem>>)
    %dma_start3A_74 = arith.constant 6 : i32
    %dma_start3A_75 = arith.constant 6 : i32
    %dma_start3A_76 = arith.constant 0 : i32
    %dma_start3A_77 = arith.constant 0 : i32
    %dma_start3A_78 = tpu.memref_slice %arg6[%dma_start3A_75, %dma_start3A_76, %dma_start3A_77] : memref<8x50x128xf32, #tpu.memory_space<vmem>> -> memref<1x50x128xf32, #tpu.memory_space<vmem>>
    %dma_start3A_79 = tpu.memref_squeeze %dma_start3A_78 : memref<1x50x128xf32, #tpu.memory_space<vmem>> -> memref<50x128xf32, #tpu.memory_space<vmem>>
    %dma_start3A_80 = arith.constant 0 : i32
    %dma_start3A_81 = tpu.memref_slice %arg5[%dma_start3A_74, %dma_start3A_80] : memref<128x50xi32, #tpu.memory_space<vmem>> -> memref<1x50xi32, #tpu.memory_space<vmem>>
    %dma_start3A_82 = tpu.memref_squeeze %dma_start3A_81 : memref<1x50xi32, #tpu.memory_space<vmem>> -> memref<50xi32, #tpu.memory_space<vmem>>
    %dma_start3A_83 = arith.constant 0 : i32
    %dma_start3A_84 = arith.constant 0 : i32
    %dma_start3A_85 = tpu.memref_slice %arg2[%dma_start3A_83, %dma_start3A_84] : memref<1000000x128xf32, #tpu.memory_space<hbm>> -> memref<1000000x128xf32, #tpu.memory_space<hbm>>
    tpu.enqueue_indirect_dma source(%dma_start3A_85 : memref<1000000x128xf32, #tpu.memory_space<hbm>>) target(%dma_start3A_79 : memref<50x128xf32, #tpu.memory_space<vmem>>) offsets(%dma_start3A_82 : memref<50xi32, #tpu.memory_space<vmem>>) semaphore(%arg13 : memref<!tpu.dma_semaphore, #tpu.memory_space<semaphore_mem>>)
    %dma_start3A_86 = arith.constant 7 : i32
    %dma_start3A_87 = arith.constant 7 : i32
    %dma_start3A_88 = arith.constant 0 : i32
    %dma_start3A_89 = arith.constant 0 : i32
    %dma_start3A_90 = tpu.memref_slice %arg6[%dma_start3A_87, %dma_start3A_88, %dma_start3A_89] : memref<8x50x128xf32, #tpu.memory_space<vmem>> -> memref<1x50x128xf32, #tpu.memory_space<vmem>>
    %dma_start3A_91 = tpu.memref_squeeze %dma_start3A_90 : memref<1x50x128xf32, #tpu.memory_space<vmem>> -> memref<50x128xf32, #tpu.memory_space<vmem>>
    %dma_start3A_92 = arith.constant 0 : i32
    %dma_start3A_93 = tpu.memref_slice %arg5[%dma_start3A_86, %dma_start3A_92] : memref<128x50xi32, #tpu.memory_space<vmem>> -> memref<1x50xi32, #tpu.memory_space<vmem>>
    %dma_start3A_94 = tpu.memref_squeeze %dma_start3A_93 : memref<1x50xi32, #tpu.memory_space<vmem>> -> memref<50xi32, #tpu.memory_space<vmem>>
    %dma_start3A_95 = arith.constant 0 : i32
    %dma_start3A_96 = arith.constant 0 : i32
    %dma_start3A_97 = tpu.memref_slice %arg2[%dma_start3A_95, %dma_start3A_96] : memref<1000000x128xf32, #tpu.memory_space<hbm>> -> memref<1000000x128xf32, #tpu.memory_space<hbm>>
    tpu.enqueue_indirect_dma source(%dma_start3A_97 : memref<1000000x128xf32, #tpu.memory_space<hbm>>) target(%dma_start3A_91 : memref<50x128xf32, #tpu.memory_space<vmem>>) offsets(%dma_start3A_94 : memref<50xi32, #tpu.memory_space<vmem>>) semaphore(%arg14 : memref<!tpu.dma_semaphore, #tpu.memory_space<semaphore_mem>>)
    %scan3A = arith.constant 0 : i32
    %scan3A_98 = arith.constant 0 : i32
    %scan3A_99 = arith.constant 16 : i32
    %scan3A_100 = arith.addi %scan3A_98, %scan3A_99 : i32
    %scan3A_101 = arith.constant 1 : i32
    scf.for %scan3A_254 = %scan3A_98 to %scan3A_100 step %scan3A_101  : i32 {
      %mul3A_255 = arith.constant 8 : i32
      %mul3A_256 = arith.muli %scan3A_254, %mul3A_255 : i32
      %add3A_257 = arith.constant 0 : i32
      %add3A_258 = arith.addi %mul3A_256, %add3A_257 : i32
      %dma_wait3A_259 = arith.constant 0 : i32
      %dma_wait3A_260 = arith.constant 0 : i32
      %dma_wait3A_261 = arith.constant 0 : i32
      %dma_wait3A_262 = tpu.memref_slice %arg6[%dma_wait3A_259, %dma_wait3A_260, %dma_wait3A_261] : memref<8x50x128xf32, #tpu.memory_space<vmem>> -> memref<1x50x128xf32, #tpu.memory_space<vmem>>
      %dma_wait3A_263 = tpu.memref_squeeze %dma_wait3A_262 : memref<1x50x128xf32, #tpu.memory_space<vmem>> -> memref<50x128xf32, #tpu.memory_space<vmem>>
      %dma_wait3A_264 = arith.constant 0 : i32
      %dma_wait3A_265 = tpu.memref_slice %arg5[%add3A_258, %dma_wait3A_264] : memref<128x50xi32, #tpu.memory_space<vmem>> -> memref<1x50xi32, #tpu.memory_space<vmem>>
      %dma_wait3A_266 = tpu.memref_squeeze %dma_wait3A_265 : memref<1x50xi32, #tpu.memory_space<vmem>> -> memref<50xi32, #tpu.memory_space<vmem>>
      %dma_wait3A_267 = arith.constant 0 : i32
      %dma_wait3A_268 = arith.constant 0 : i32
      %dma_wait3A_269 = tpu.memref_slice %arg2[%dma_wait3A_267, %dma_wait3A_268] : memref<1000000x128xf32, #tpu.memory_space<hbm>> -> memref<1000000x128xf32, #tpu.memory_space<hbm>>
      tpu.wait_indirect_dma semaphore(%arg7 : memref<!tpu.dma_semaphore, #tpu.memory_space<semaphore_mem>>) src(%dma_wait3A_269 : memref<1000000x128xf32, #tpu.memory_space<hbm>>) dst(%dma_wait3A_263 : memref<50x128xf32, #tpu.memory_space<vmem>>)
      %add3A_270 = arith.addi %mul3A_2, %add3A_258 : i32
      %dma_start3A_271 = arith.constant 0 : i32
      %dma_start3A_272 = arith.constant 0 : i32
      %dma_start3A_273 = arith.constant 0 : i32
      %dma_start3A_274 = tpu.memref_slice %arg6[%dma_start3A_271, %dma_start3A_272, %dma_start3A_273] : memref<8x50x128xf32, #tpu.memory_space<vmem>> -> memref<1x50x64xf32, #tpu.memory_space<vmem>>
      %dma_start3A_275 = tpu.memref_squeeze %dma_start3A_274 : memref<1x50x64xf32, #tpu.memory_space<vmem>> -> memref<50x64xf32, #tpu.memory_space<vmem>>
      %dma_start3A_276 = arith.constant 0 : i32
      %dma_start3A_277 = arith.constant 0 : i32
      %dma_start3A_278 = tpu.memref_slice %arg4[%add3A_270, %dma_start3A_276, %dma_start3A_277] : memref<4096x50x64xf32, #tpu.memory_space<hbm>> -> memref<1x50x64xf32, #tpu.memory_space<hbm>>
      %dma_start3A_279 = tpu.memref_squeeze %dma_start3A_278 : memref<1x50x64xf32, #tpu.memory_space<hbm>> -> memref<50x64xf32, #tpu.memory_space<hbm>>
      %dma_start3A_280 = arith.constant 0 : i32
      %dma_start3A_281 = arith.constant 0 : i32
      %dma_start3A_282 = tpu.memref_slice %arg4[%add3A_270, %dma_start3A_280, %dma_start3A_281] : memref<4096x50x64xf32, #tpu.memory_space<hbm>> -> memref<1x50x64xf32, #tpu.memory_space<hbm>>
      %dma_start3A_283 = tpu.memref_squeeze %dma_start3A_282 : memref<1x50x64xf32, #tpu.memory_space<hbm>> -> memref<50x64xf32, #tpu.memory_space<hbm>>
      %dma_start3A_284 = arith.constant 0 : i32
      %dma_start3A_285 = arith.constant 0 : i32
      %dma_start3A_286 = tpu.memref_slice %arg6[%dma_start3A_271, %dma_start3A_284, %dma_start3A_285] : memref<8x50x128xf32, #tpu.memory_space<vmem>> -> memref<1x50x64xf32, #tpu.memory_space<vmem>>
      %dma_start3A_287 = tpu.memref_squeeze %dma_start3A_286 : memref<1x50x64xf32, #tpu.memory_space<vmem>> -> memref<50x64xf32, #tpu.memory_space<vmem>>
      tpu.enqueue_dma source(%dma_start3A_287 : memref<50x64xf32, #tpu.memory_space<vmem>>) target(%dma_start3A_283 : memref<50x64xf32, #tpu.memory_space<hbm>>) target_semaphore(%arg15 : memref<!tpu.dma_semaphore, #tpu.memory_space<semaphore_mem>>)
      %add3A_288 = arith.constant 8 : i32
      %add3A_289 = arith.addi %add3A_258, %add3A_288 : i32
      %lt3A = arith.constant 128 : i32
      %lt3A_290 = arith.cmpi slt, %add3A_289, %lt3A : i32
      %convert_element_type3A = arith.extui %lt3A_290 : i1 to i32
      %cond3A = arith.constant 0 : i32
      %cond3A_291 = arith.cmpi ne, %convert_element_type3A, %cond3A : i32
      scf.if %cond3A_291 {
        %add3A_572 = arith.addi %mul3A_2, %add3A_258 : i32
        %dma_wait3A_573 = arith.constant 0 : i32
        %dma_wait3A_574 = arith.constant 0 : i32
        %dma_wait3A_575 = arith.constant 0 : i32
        %dma_wait3A_576 = tpu.memref_slice %arg6[%dma_wait3A_573, %dma_wait3A_574, %dma_wait3A_575] : memref<8x50x128xf32, #tpu.memory_space<vmem>> -> memref<1x50x64xf32, #tpu.memory_space<vmem>>
        %dma_wait3A_577 = tpu.memref_squeeze %dma_wait3A_576 : memref<1x50x64xf32, #tpu.memory_space<vmem>> -> memref<50x64xf32, #tpu.memory_space<vmem>>
        %dma_wait3A_578 = arith.constant 0 : i32
        %dma_wait3A_579 = arith.constant 0 : i32
        %dma_wait3A_580 = tpu.memref_slice %arg4[%add3A_572, %dma_wait3A_578, %dma_wait3A_579] : memref<4096x50x64xf32, #tpu.memory_space<hbm>> -> memref<1x50x64xf32, #tpu.memory_space<hbm>>
        %dma_wait3A_581 = tpu.memref_squeeze %dma_wait3A_580 : memref<1x50x64xf32, #tpu.memory_space<hbm>> -> memref<50x64xf32, #tpu.memory_space<hbm>>
        %dma_wait3A_582 = arith.constant 0 : i32
        %dma_wait3A_583 = arith.constant 0 : i32
        %dma_wait3A_584 = tpu.memref_slice %arg4[%add3A_572, %dma_wait3A_582, %dma_wait3A_583] : memref<4096x50x64xf32, #tpu.memory_space<hbm>> -> memref<1x50x64xf32, #tpu.memory_space<hbm>>
        %dma_wait3A_585 = tpu.memref_squeeze %dma_wait3A_584 : memref<1x50x64xf32, #tpu.memory_space<hbm>> -> memref<50x64xf32, #tpu.memory_space<hbm>>
        %dma_wait3A_586 = arith.constant 0 : i32
        %dma_wait3A_587 = arith.constant 0 : i32
        %dma_wait3A_588 = tpu.memref_slice %arg6[%dma_wait3A_573, %dma_wait3A_586, %dma_wait3A_587] : memref<8x50x128xf32, #tpu.memory_space<vmem>> -> memref<1x50x64xf32, #tpu.memory_space<vmem>>
        %dma_wait3A_589 = tpu.memref_squeeze %dma_wait3A_588 : memref<1x50x64xf32, #tpu.memory_space<vmem>> -> memref<50x64xf32, #tpu.memory_space<vmem>>
        tpu.wait_dma2 semaphore(%arg15 : memref<!tpu.dma_semaphore, #tpu.memory_space<semaphore_mem>>) src(%dma_wait3A_589 : memref<50x64xf32, #tpu.memory_space<vmem>>) dst(%dma_wait3A_585 : memref<50x64xf32, #tpu.memory_space<hbm>>)
        %dma_start3A_590 = arith.constant 0 : i32
        %dma_start3A_591 = arith.constant 0 : i32
        %dma_start3A_592 = arith.constant 0 : i32
        %dma_start3A_593 = tpu.memref_slice %arg6[%dma_start3A_590, %dma_start3A_591, %dma_start3A_592] : memref<8x50x128xf32, #tpu.memory_space<vmem>> -> memref<1x50x128xf32, #tpu.memory_space<vmem>>
        %dma_start3A_594 = tpu.memref_squeeze %dma_start3A_593 : memref<1x50x128xf32, #tpu.memory_space<vmem>> -> memref<50x128xf32, #tpu.memory_space<vmem>>
        %dma_start3A_595 = arith.constant 0 : i32
        %dma_start3A_596 = tpu.memref_slice %arg5[%add3A_289, %dma_start3A_595] : memref<128x50xi32, #tpu.memory_space<vmem>> -> memref<1x50xi32, #tpu.memory_space<vmem>>
        %dma_start3A_597 = tpu.memref_squeeze %dma_start3A_596 : memref<1x50xi32, #tpu.memory_space<vmem>> -> memref<50xi32, #tpu.memory_space<vmem>>
        %dma_start3A_598 = arith.constant 0 : i32
        %dma_start3A_599 = arith.constant 0 : i32
        %dma_start3A_600 = tpu.memref_slice %arg2[%dma_start3A_598, %dma_start3A_599] : memref<1000000x128xf32, #tpu.memory_space<hbm>> -> memref<1000000x128xf32, #tpu.memory_space<hbm>>
        tpu.enqueue_indirect_dma source(%dma_start3A_600 : memref<1000000x128xf32, #tpu.memory_space<hbm>>) target(%dma_start3A_594 : memref<50x128xf32, #tpu.memory_space<vmem>>) offsets(%dma_start3A_597 : memref<50xi32, #tpu.memory_space<vmem>>) semaphore(%arg7 : memref<!tpu.dma_semaphore, #tpu.memory_space<semaphore_mem>>)
      } else {
      }
      %mul3A_292 = arith.constant 8 : i32
      %mul3A_293 = arith.muli %scan3A_254, %mul3A_292 : i32
      %add3A_294 = arith.constant 1 : i32
      %add3A_295 = arith.addi %mul3A_293, %add3A_294 : i32
      %dma_wait3A_296 = arith.constant 1 : i32
      %dma_wait3A_297 = arith.constant 0 : i32
      %dma_wait3A_298 = arith.constant 0 : i32
      %dma_wait3A_299 = tpu.memref_slice %arg6[%dma_wait3A_296, %dma_wait3A_297, %dma_wait3A_298] : memref<8x50x128xf32, #tpu.memory_space<vmem>> -> memref<1x50x128xf32, #tpu.memory_space<vmem>>
      %dma_wait3A_300 = tpu.memref_squeeze %dma_wait3A_299 : memref<1x50x128xf32, #tpu.memory_space<vmem>> -> memref<50x128xf32, #tpu.memory_space<vmem>>
      %dma_wait3A_301 = arith.constant 0 : i32
      %dma_wait3A_302 = tpu.memref_slice %arg5[%add3A_295, %dma_wait3A_301] : memref<128x50xi32, #tpu.memory_space<vmem>> -> memref<1x50xi32, #tpu.memory_space<vmem>>
      %dma_wait3A_303 = tpu.memref_squeeze %dma_wait3A_302 : memref<1x50xi32, #tpu.memory_space<vmem>> -> memref<50xi32, #tpu.memory_space<vmem>>
      %dma_wait3A_304 = arith.constant 0 : i32
      %dma_wait3A_305 = arith.constant 0 : i32
      %dma_wait3A_306 = tpu.memref_slice %arg2[%dma_wait3A_304, %dma_wait3A_305] : memref<1000000x128xf32, #tpu.memory_space<hbm>> -> memref<1000000x128xf32, #tpu.memory_space<hbm>>
      tpu.wait_indirect_dma semaphore(%arg8 : memref<!tpu.dma_semaphore, #tpu.memory_space<semaphore_mem>>) src(%dma_wait3A_306 : memref<1000000x128xf32, #tpu.memory_space<hbm>>) dst(%dma_wait3A_300 : memref<50x128xf32, #tpu.memory_space<vmem>>)
      %add3A_307 = arith.addi %mul3A_2, %add3A_295 : i32
      %dma_start3A_308 = arith.constant 1 : i32
      %dma_start3A_309 = arith.constant 0 : i32
      %dma_start3A_310 = arith.constant 0 : i32
      %dma_start3A_311 = tpu.memref_slice %arg6[%dma_start3A_308, %dma_start3A_309, %dma_start3A_310] : memref<8x50x128xf32, #tpu.memory_space<vmem>> -> memref<1x50x64xf32, #tpu.memory_space<vmem>>
      %dma_start3A_312 = tpu.memref_squeeze %dma_start3A_311 : memref<1x50x64xf32, #tpu.memory_space<vmem>> -> memref<50x64xf32, #tpu.memory_space<vmem>>
      %dma_start3A_313 = arith.constant 0 : i32
      %dma_start3A_314 = arith.constant 0 : i32
      %dma_start3A_315 = tpu.memref_slice %arg4[%add3A_307, %dma_start3A_313, %dma_start3A_314] : memref<4096x50x64xf32, #tpu.memory_space<hbm>> -> memref<1x50x64xf32, #tpu.memory_space<hbm>>
      %dma_start3A_316 = tpu.memref_squeeze %dma_start3A_315 : memref<1x50x64xf32, #tpu.memory_space<hbm>> -> memref<50x64xf32, #tpu.memory_space<hbm>>
      %dma_start3A_317 = arith.constant 0 : i32
      %dma_start3A_318 = arith.constant 0 : i32
      %dma_start3A_319 = tpu.memref_slice %arg4[%add3A_307, %dma_start3A_317, %dma_start3A_318] : memref<4096x50x64xf32, #tpu.memory_space<hbm>> -> memref<1x50x64xf32, #tpu.memory_space<hbm>>
      %dma_start3A_320 = tpu.memref_squeeze %dma_start3A_319 : memref<1x50x64xf32, #tpu.memory_space<hbm>> -> memref<50x64xf32, #tpu.memory_space<hbm>>
      %dma_start3A_321 = arith.constant 0 : i32
      %dma_start3A_322 = arith.constant 0 : i32
      %dma_start3A_323 = tpu.memref_slice %arg6[%dma_start3A_308, %dma_start3A_321, %dma_start3A_322] : memref<8x50x128xf32, #tpu.memory_space<vmem>> -> memref<1x50x64xf32, #tpu.memory_space<vmem>>
      %dma_start3A_324 = tpu.memref_squeeze %dma_start3A_323 : memref<1x50x64xf32, #tpu.memory_space<vmem>> -> memref<50x64xf32, #tpu.memory_space<vmem>>
      tpu.enqueue_dma source(%dma_start3A_324 : memref<50x64xf32, #tpu.memory_space<vmem>>) target(%dma_start3A_320 : memref<50x64xf32, #tpu.memory_space<hbm>>) target_semaphore(%arg16 : memref<!tpu.dma_semaphore, #tpu.memory_space<semaphore_mem>>)
      %add3A_325 = arith.constant 8 : i32
      %add3A_326 = arith.addi %add3A_295, %add3A_325 : i32
      %lt3A_327 = arith.constant 128 : i32
      %lt3A_328 = arith.cmpi slt, %add3A_326, %lt3A_327 : i32
      %convert_element_type3A_329 = arith.extui %lt3A_328 : i1 to i32
      %cond3A_330 = arith.constant 0 : i32
      %cond3A_331 = arith.cmpi ne, %convert_element_type3A_329, %cond3A_330 : i32
      scf.if %cond3A_331 {
        %add3A_572 = arith.addi %mul3A_2, %add3A_295 : i32
        %dma_wait3A_573 = arith.constant 1 : i32
        %dma_wait3A_574 = arith.constant 0 : i32
        %dma_wait3A_575 = arith.constant 0 : i32
        %dma_wait3A_576 = tpu.memref_slice %arg6[%dma_wait3A_573, %dma_wait3A_574, %dma_wait3A_575] : memref<8x50x128xf32, #tpu.memory_space<vmem>> -> memref<1x50x64xf32, #tpu.memory_space<vmem>>
        %dma_wait3A_577 = tpu.memref_squeeze %dma_wait3A_576 : memref<1x50x64xf32, #tpu.memory_space<vmem>> -> memref<50x64xf32, #tpu.memory_space<vmem>>
        %dma_wait3A_578 = arith.constant 0 : i32
        %dma_wait3A_579 = arith.constant 0 : i32
        %dma_wait3A_580 = tpu.memref_slice %arg4[%add3A_572, %dma_wait3A_578, %dma_wait3A_579] : memref<4096x50x64xf32, #tpu.memory_space<hbm>> -> memref<1x50x64xf32, #tpu.memory_space<hbm>>
        %dma_wait3A_581 = tpu.memref_squeeze %dma_wait3A_580 : memref<1x50x64xf32, #tpu.memory_space<hbm>> -> memref<50x64xf32, #tpu.memory_space<hbm>>
        %dma_wait3A_582 = arith.constant 0 : i32
        %dma_wait3A_583 = arith.constant 0 : i32
        %dma_wait3A_584 = tpu.memref_slice %arg4[%add3A_572, %dma_wait3A_582, %dma_wait3A_583] : memref<4096x50x64xf32, #tpu.memory_space<hbm>> -> memref<1x50x64xf32, #tpu.memory_space<hbm>>
        %dma_wait3A_585 = tpu.memref_squeeze %dma_wait3A_584 : memref<1x50x64xf32, #tpu.memory_space<hbm>> -> memref<50x64xf32, #tpu.memory_space<hbm>>
        %dma_wait3A_586 = arith.constant 0 : i32
        %dma_wait3A_587 = arith.constant 0 : i32
        %dma_wait3A_588 = tpu.memref_slice %arg6[%dma_wait3A_573, %dma_wait3A_586, %dma_wait3A_587] : memref<8x50x128xf32, #tpu.memory_space<vmem>> -> memref<1x50x64xf32, #tpu.memory_space<vmem>>
        %dma_wait3A_589 = tpu.memref_squeeze %dma_wait3A_588 : memref<1x50x64xf32, #tpu.memory_space<vmem>> -> memref<50x64xf32, #tpu.memory_space<vmem>>
        tpu.wait_dma2 semaphore(%arg16 : memref<!tpu.dma_semaphore, #tpu.memory_space<semaphore_mem>>) src(%dma_wait3A_589 : memref<50x64xf32, #tpu.memory_space<vmem>>) dst(%dma_wait3A_585 : memref<50x64xf32, #tpu.memory_space<hbm>>)
        %dma_start3A_590 = arith.constant 1 : i32
        %dma_start3A_591 = arith.constant 0 : i32
        %dma_start3A_592 = arith.constant 0 : i32
        %dma_start3A_593 = tpu.memref_slice %arg6[%dma_start3A_590, %dma_start3A_591, %dma_start3A_592] : memref<8x50x128xf32, #tpu.memory_space<vmem>> -> memref<1x50x128xf32, #tpu.memory_space<vmem>>
        %dma_start3A_594 = tpu.memref_squeeze %dma_start3A_593 : memref<1x50x128xf32, #tpu.memory_space<vmem>> -> memref<50x128xf32, #tpu.memory_space<vmem>>
        %dma_start3A_595 = arith.constant 0 : i32
        %dma_start3A_596 = tpu.memref_slice %arg5[%add3A_326, %dma_start3A_595] : memref<128x50xi32, #tpu.memory_space<vmem>> -> memref<1x50xi32, #tpu.memory_space<vmem>>
        %dma_start3A_597 = tpu.memref_squeeze %dma_start3A_596 : memref<1x50xi32, #tpu.memory_space<vmem>> -> memref<50xi32, #tpu.memory_space<vmem>>
        %dma_start3A_598 = arith.constant 0 : i32
        %dma_start3A_599 = arith.constant 0 : i32
        %dma_start3A_600 = tpu.memref_slice %arg2[%dma_start3A_598, %dma_start3A_599] : memref<1000000x128xf32, #tpu.memory_space<hbm>> -> memref<1000000x128xf32, #tpu.memory_space<hbm>>
        tpu.enqueue_indirect_dma source(%dma_start3A_600 : memref<1000000x128xf32, #tpu.memory_space<hbm>>) target(%dma_start3A_594 : memref<50x128xf32, #tpu.memory_space<vmem>>) offsets(%dma_start3A_597 : memref<50xi32, #tpu.memory_space<vmem>>) semaphore(%arg8 : memref<!tpu.dma_semaphore, #tpu.memory_space<semaphore_mem>>)
      } else {
      }
      %mul3A_332 = arith.constant 8 : i32
      %mul3A_333 = arith.muli %scan3A_254, %mul3A_332 : i32
      %add3A_334 = arith.constant 2 : i32
      %add3A_335 = arith.addi %mul3A_333, %add3A_334 : i32
      %dma_wait3A_336 = arith.constant 2 : i32
      %dma_wait3A_337 = arith.constant 0 : i32
      %dma_wait3A_338 = arith.constant 0 : i32
      %dma_wait3A_339 = tpu.memref_slice %arg6[%dma_wait3A_336, %dma_wait3A_337, %dma_wait3A_338] : memref<8x50x128xf32, #tpu.memory_space<vmem>> -> memref<1x50x128xf32, #tpu.memory_space<vmem>>
      %dma_wait3A_340 = tpu.memref_squeeze %dma_wait3A_339 : memref<1x50x128xf32, #tpu.memory_space<vmem>> -> memref<50x128xf32, #tpu.memory_space<vmem>>
      %dma_wait3A_341 = arith.constant 0 : i32
      %dma_wait3A_342 = tpu.memref_slice %arg5[%add3A_335, %dma_wait3A_341] : memref<128x50xi32, #tpu.memory_space<vmem>> -> memref<1x50xi32, #tpu.memory_space<vmem>>
      %dma_wait3A_343 = tpu.memref_squeeze %dma_wait3A_342 : memref<1x50xi32, #tpu.memory_space<vmem>> -> memref<50xi32, #tpu.memory_space<vmem>>
      %dma_wait3A_344 = arith.constant 0 : i32
      %dma_wait3A_345 = arith.constant 0 : i32
      %dma_wait3A_346 = tpu.memref_slice %arg2[%dma_wait3A_344, %dma_wait3A_345] : memref<1000000x128xf32, #tpu.memory_space<hbm>> -> memref<1000000x128xf32, #tpu.memory_space<hbm>>
      tpu.wait_indirect_dma semaphore(%arg9 : memref<!tpu.dma_semaphore, #tpu.memory_space<semaphore_mem>>) src(%dma_wait3A_346 : memref<1000000x128xf32, #tpu.memory_space<hbm>>) dst(%dma_wait3A_340 : memref<50x128xf32, #tpu.memory_space<vmem>>)
      %add3A_347 = arith.addi %mul3A_2, %add3A_335 : i32
      %dma_start3A_348 = arith.constant 2 : i32
      %dma_start3A_349 = arith.constant 0 : i32
      %dma_start3A_350 = arith.constant 0 : i32
      %dma_start3A_351 = tpu.memref_slice %arg6[%dma_start3A_348, %dma_start3A_349, %dma_start3A_350] : memref<8x50x128xf32, #tpu.memory_space<vmem>> -> memref<1x50x64xf32, #tpu.memory_space<vmem>>
      %dma_start3A_352 = tpu.memref_squeeze %dma_start3A_351 : memref<1x50x64xf32, #tpu.memory_space<vmem>> -> memref<50x64xf32, #tpu.memory_space<vmem>>
      %dma_start3A_353 = arith.constant 0 : i32
      %dma_start3A_354 = arith.constant 0 : i32
      %dma_start3A_355 = tpu.memref_slice %arg4[%add3A_347, %dma_start3A_353, %dma_start3A_354] : memref<4096x50x64xf32, #tpu.memory_space<hbm>> -> memref<1x50x64xf32, #tpu.memory_space<hbm>>
      %dma_start3A_356 = tpu.memref_squeeze %dma_start3A_355 : memref<1x50x64xf32, #tpu.memory_space<hbm>> -> memref<50x64xf32, #tpu.memory_space<hbm>>
      %dma_start3A_357 = arith.constant 0 : i32
      %dma_start3A_358 = arith.constant 0 : i32
      %dma_start3A_359 = tpu.memref_slice %arg4[%add3A_347, %dma_start3A_357, %dma_start3A_358] : memref<4096x50x64xf32, #tpu.memory_space<hbm>> -> memref<1x50x64xf32, #tpu.memory_space<hbm>>
      %dma_start3A_360 = tpu.memref_squeeze %dma_start3A_359 : memref<1x50x64xf32, #tpu.memory_space<hbm>> -> memref<50x64xf32, #tpu.memory_space<hbm>>
      %dma_start3A_361 = arith.constant 0 : i32
      %dma_start3A_362 = arith.constant 0 : i32
      %dma_start3A_363 = tpu.memref_slice %arg6[%dma_start3A_348, %dma_start3A_361, %dma_start3A_362] : memref<8x50x128xf32, #tpu.memory_space<vmem>> -> memref<1x50x64xf32, #tpu.memory_space<vmem>>
      %dma_start3A_364 = tpu.memref_squeeze %dma_start3A_363 : memref<1x50x64xf32, #tpu.memory_space<vmem>> -> memref<50x64xf32, #tpu.memory_space<vmem>>
      tpu.enqueue_dma source(%dma_start3A_364 : memref<50x64xf32, #tpu.memory_space<vmem>>) target(%dma_start3A_360 : memref<50x64xf32, #tpu.memory_space<hbm>>) target_semaphore(%arg17 : memref<!tpu.dma_semaphore, #tpu.memory_space<semaphore_mem>>)
      %add3A_365 = arith.constant 8 : i32
      %add3A_366 = arith.addi %add3A_335, %add3A_365 : i32
      %lt3A_367 = arith.constant 128 : i32
      %lt3A_368 = arith.cmpi slt, %add3A_366, %lt3A_367 : i32
      %convert_element_type3A_369 = arith.extui %lt3A_368 : i1 to i32
      %cond3A_370 = arith.constant 0 : i32
      %cond3A_371 = arith.cmpi ne, %convert_element_type3A_369, %cond3A_370 : i32
      scf.if %cond3A_371 {
        %add3A_572 = arith.addi %mul3A_2, %add3A_335 : i32
        %dma_wait3A_573 = arith.constant 2 : i32
        %dma_wait3A_574 = arith.constant 0 : i32
        %dma_wait3A_575 = arith.constant 0 : i32
        %dma_wait3A_576 = tpu.memref_slice %arg6[%dma_wait3A_573, %dma_wait3A_574, %dma_wait3A_575] : memref<8x50x128xf32, #tpu.memory_space<vmem>> -> memref<1x50x64xf32, #tpu.memory_space<vmem>>
        %dma_wait3A_577 = tpu.memref_squeeze %dma_wait3A_576 : memref<1x50x64xf32, #tpu.memory_space<vmem>> -> memref<50x64xf32, #tpu.memory_space<vmem>>
        %dma_wait3A_578 = arith.constant 0 : i32
        %dma_wait3A_579 = arith.constant 0 : i32
        %dma_wait3A_580 = tpu.memref_slice %arg4[%add3A_572, %dma_wait3A_578, %dma_wait3A_579] : memref<4096x50x64xf32, #tpu.memory_space<hbm>> -> memref<1x50x64xf32, #tpu.memory_space<hbm>>
        %dma_wait3A_581 = tpu.memref_squeeze %dma_wait3A_580 : memref<1x50x64xf32, #tpu.memory_space<hbm>> -> memref<50x64xf32, #tpu.memory_space<hbm>>
        %dma_wait3A_582 = arith.constant 0 : i32
        %dma_wait3A_583 = arith.constant 0 : i32
        %dma_wait3A_584 = tpu.memref_slice %arg4[%add3A_572, %dma_wait3A_582, %dma_wait3A_583] : memref<4096x50x64xf32, #tpu.memory_space<hbm>> -> memref<1x50x64xf32, #tpu.memory_space<hbm>>
        %dma_wait3A_585 = tpu.memref_squeeze %dma_wait3A_584 : memref<1x50x64xf32, #tpu.memory_space<hbm>> -> memref<50x64xf32, #tpu.memory_space<hbm>>
        %dma_wait3A_586 = arith.constant 0 : i32
        %dma_wait3A_587 = arith.constant 0 : i32
        %dma_wait3A_588 = tpu.memref_slice %arg6[%dma_wait3A_573, %dma_wait3A_586, %dma_wait3A_587] : memref<8x50x128xf32, #tpu.memory_space<vmem>> -> memref<1x50x64xf32, #tpu.memory_space<vmem>>
        %dma_wait3A_589 = tpu.memref_squeeze %dma_wait3A_588 : memref<1x50x64xf32, #tpu.memory_space<vmem>> -> memref<50x64xf32, #tpu.memory_space<vmem>>
        tpu.wait_dma2 semaphore(%arg17 : memref<!tpu.dma_semaphore, #tpu.memory_space<semaphore_mem>>) src(%dma_wait3A_589 : memref<50x64xf32, #tpu.memory_space<vmem>>) dst(%dma_wait3A_585 : memref<50x64xf32, #tpu.memory_space<hbm>>)
        %dma_start3A_590 = arith.constant 2 : i32
        %dma_start3A_591 = arith.constant 0 : i32
        %dma_start3A_592 = arith.constant 0 : i32
        %dma_start3A_593 = tpu.memref_slice %arg6[%dma_start3A_590, %dma_start3A_591, %dma_start3A_592] : memref<8x50x128xf32, #tpu.memory_space<vmem>> -> memref<1x50x128xf32, #tpu.memory_space<vmem>>
        %dma_start3A_594 = tpu.memref_squeeze %dma_start3A_593 : memref<1x50x128xf32, #tpu.memory_space<vmem>> -> memref<50x128xf32, #tpu.memory_space<vmem>>
        %dma_start3A_595 = arith.constant 0 : i32
        %dma_start3A_596 = tpu.memref_slice %arg5[%add3A_366, %dma_start3A_595] : memref<128x50xi32, #tpu.memory_space<vmem>> -> memref<1x50xi32, #tpu.memory_space<vmem>>
        %dma_start3A_597 = tpu.memref_squeeze %dma_start3A_596 : memref<1x50xi32, #tpu.memory_space<vmem>> -> memref<50xi32, #tpu.memory_space<vmem>>
        %dma_start3A_598 = arith.constant 0 : i32
        %dma_start3A_599 = arith.constant 0 : i32
        %dma_start3A_600 = tpu.memref_slice %arg2[%dma_start3A_598, %dma_start3A_599] : memref<1000000x128xf32, #tpu.memory_space<hbm>> -> memref<1000000x128xf32, #tpu.memory_space<hbm>>
        tpu.enqueue_indirect_dma source(%dma_start3A_600 : memref<1000000x128xf32, #tpu.memory_space<hbm>>) target(%dma_start3A_594 : memref<50x128xf32, #tpu.memory_space<vmem>>) offsets(%dma_start3A_597 : memref<50xi32, #tpu.memory_space<vmem>>) semaphore(%arg9 : memref<!tpu.dma_semaphore, #tpu.memory_space<semaphore_mem>>)
      } else {
      }
      %mul3A_372 = arith.constant 8 : i32
      %mul3A_373 = arith.muli %scan3A_254, %mul3A_372 : i32
      %add3A_374 = arith.constant 3 : i32
      %add3A_375 = arith.addi %mul3A_373, %add3A_374 : i32
      %dma_wait3A_376 = arith.constant 3 : i32
      %dma_wait3A_377 = arith.constant 0 : i32
      %dma_wait3A_378 = arith.constant 0 : i32
      %dma_wait3A_379 = tpu.memref_slice %arg6[%dma_wait3A_376, %dma_wait3A_377, %dma_wait3A_378] : memref<8x50x128xf32, #tpu.memory_space<vmem>> -> memref<1x50x128xf32, #tpu.memory_space<vmem>>
      %dma_wait3A_380 = tpu.memref_squeeze %dma_wait3A_379 : memref<1x50x128xf32, #tpu.memory_space<vmem>> -> memref<50x128xf32, #tpu.memory_space<vmem>>
      %dma_wait3A_381 = arith.constant 0 : i32
      %dma_wait3A_382 = tpu.memref_slice %arg5[%add3A_375, %dma_wait3A_381] : memref<128x50xi32, #tpu.memory_space<vmem>> -> memref<1x50xi32, #tpu.memory_space<vmem>>
      %dma_wait3A_383 = tpu.memref_squeeze %dma_wait3A_382 : memref<1x50xi32, #tpu.memory_space<vmem>> -> memref<50xi32, #tpu.memory_space<vmem>>
      %dma_wait3A_384 = arith.constant 0 : i32
      %dma_wait3A_385 = arith.constant 0 : i32
      %dma_wait3A_386 = tpu.memref_slice %arg2[%dma_wait3A_384, %dma_wait3A_385] : memref<1000000x128xf32, #tpu.memory_space<hbm>> -> memref<1000000x128xf32, #tpu.memory_space<hbm>>
      tpu.wait_indirect_dma semaphore(%arg10 : memref<!tpu.dma_semaphore, #tpu.memory_space<semaphore_mem>>) src(%dma_wait3A_386 : memref<1000000x128xf32, #tpu.memory_space<hbm>>) dst(%dma_wait3A_380 : memref<50x128xf32, #tpu.memory_space<vmem>>)
      %add3A_387 = arith.addi %mul3A_2, %add3A_375 : i32
      %dma_start3A_388 = arith.constant 3 : i32
      %dma_start3A_389 = arith.constant 0 : i32
      %dma_start3A_390 = arith.constant 0 : i32
      %dma_start3A_391 = tpu.memref_slice %arg6[%dma_start3A_388, %dma_start3A_389, %dma_start3A_390] : memref<8x50x128xf32, #tpu.memory_space<vmem>> -> memref<1x50x64xf32, #tpu.memory_space<vmem>>
      %dma_start3A_392 = tpu.memref_squeeze %dma_start3A_391 : memref<1x50x64xf32, #tpu.memory_space<vmem>> -> memref<50x64xf32, #tpu.memory_space<vmem>>
      %dma_start3A_393 = arith.constant 0 : i32
      %dma_start3A_394 = arith.constant 0 : i32
      %dma_start3A_395 = tpu.memref_slice %arg4[%add3A_387, %dma_start3A_393, %dma_start3A_394] : memref<4096x50x64xf32, #tpu.memory_space<hbm>> -> memref<1x50x64xf32, #tpu.memory_space<hbm>>
      %dma_start3A_396 = tpu.memref_squeeze %dma_start3A_395 : memref<1x50x64xf32, #tpu.memory_space<hbm>> -> memref<50x64xf32, #tpu.memory_space<hbm>>
      %dma_start3A_397 = arith.constant 0 : i32
      %dma_start3A_398 = arith.constant 0 : i32
      %dma_start3A_399 = tpu.memref_slice %arg4[%add3A_387, %dma_start3A_397, %dma_start3A_398] : memref<4096x50x64xf32, #tpu.memory_space<hbm>> -> memref<1x50x64xf32, #tpu.memory_space<hbm>>
      %dma_start3A_400 = tpu.memref_squeeze %dma_start3A_399 : memref<1x50x64xf32, #tpu.memory_space<hbm>> -> memref<50x64xf32, #tpu.memory_space<hbm>>
      %dma_start3A_401 = arith.constant 0 : i32
      %dma_start3A_402 = arith.constant 0 : i32
      %dma_start3A_403 = tpu.memref_slice %arg6[%dma_start3A_388, %dma_start3A_401, %dma_start3A_402] : memref<8x50x128xf32, #tpu.memory_space<vmem>> -> memref<1x50x64xf32, #tpu.memory_space<vmem>>
      %dma_start3A_404 = tpu.memref_squeeze %dma_start3A_403 : memref<1x50x64xf32, #tpu.memory_space<vmem>> -> memref<50x64xf32, #tpu.memory_space<vmem>>
      tpu.enqueue_dma source(%dma_start3A_404 : memref<50x64xf32, #tpu.memory_space<vmem>>) target(%dma_start3A_400 : memref<50x64xf32, #tpu.memory_space<hbm>>) target_semaphore(%arg18 : memref<!tpu.dma_semaphore, #tpu.memory_space<semaphore_mem>>)
      %add3A_405 = arith.constant 8 : i32
      %add3A_406 = arith.addi %add3A_375, %add3A_405 : i32
      %lt3A_407 = arith.constant 128 : i32
      %lt3A_408 = arith.cmpi slt, %add3A_406, %lt3A_407 : i32
      %convert_element_type3A_409 = arith.extui %lt3A_408 : i1 to i32
      %cond3A_410 = arith.constant 0 : i32
      %cond3A_411 = arith.cmpi ne, %convert_element_type3A_409, %cond3A_410 : i32
      scf.if %cond3A_411 {
        %add3A_572 = arith.addi %mul3A_2, %add3A_375 : i32
        %dma_wait3A_573 = arith.constant 3 : i32
        %dma_wait3A_574 = arith.constant 0 : i32
        %dma_wait3A_575 = arith.constant 0 : i32
        %dma_wait3A_576 = tpu.memref_slice %arg6[%dma_wait3A_573, %dma_wait3A_574, %dma_wait3A_575] : memref<8x50x128xf32, #tpu.memory_space<vmem>> -> memref<1x50x64xf32, #tpu.memory_space<vmem>>
        %dma_wait3A_577 = tpu.memref_squeeze %dma_wait3A_576 : memref<1x50x64xf32, #tpu.memory_space<vmem>> -> memref<50x64xf32, #tpu.memory_space<vmem>>
        %dma_wait3A_578 = arith.constant 0 : i32
        %dma_wait3A_579 = arith.constant 0 : i32
        %dma_wait3A_580 = tpu.memref_slice %arg4[%add3A_572, %dma_wait3A_578, %dma_wait3A_579] : memref<4096x50x64xf32, #tpu.memory_space<hbm>> -> memref<1x50x64xf32, #tpu.memory_space<hbm>>
        %dma_wait3A_581 = tpu.memref_squeeze %dma_wait3A_580 : memref<1x50x64xf32, #tpu.memory_space<hbm>> -> memref<50x64xf32, #tpu.memory_space<hbm>>
        %dma_wait3A_582 = arith.constant 0 : i32
        %dma_wait3A_583 = arith.constant 0 : i32
        %dma_wait3A_584 = tpu.memref_slice %arg4[%add3A_572, %dma_wait3A_582, %dma_wait3A_583] : memref<4096x50x64xf32, #tpu.memory_space<hbm>> -> memref<1x50x64xf32, #tpu.memory_space<hbm>>
        %dma_wait3A_585 = tpu.memref_squeeze %dma_wait3A_584 : memref<1x50x64xf32, #tpu.memory_space<hbm>> -> memref<50x64xf32, #tpu.memory_space<hbm>>
        %dma_wait3A_586 = arith.constant 0 : i32
        %dma_wait3A_587 = arith.constant 0 : i32
        %dma_wait3A_588 = tpu.memref_slice %arg6[%dma_wait3A_573, %dma_wait3A_586, %dma_wait3A_587] : memref<8x50x128xf32, #tpu.memory_space<vmem>> -> memref<1x50x64xf32, #tpu.memory_space<vmem>>
        %dma_wait3A_589 = tpu.memref_squeeze %dma_wait3A_588 : memref<1x50x64xf32, #tpu.memory_space<vmem>> -> memref<50x64xf32, #tpu.memory_space<vmem>>
        tpu.wait_dma2 semaphore(%arg18 : memref<!tpu.dma_semaphore, #tpu.memory_space<semaphore_mem>>) src(%dma_wait3A_589 : memref<50x64xf32, #tpu.memory_space<vmem>>) dst(%dma_wait3A_585 : memref<50x64xf32, #tpu.memory_space<hbm>>)
        %dma_start3A_590 = arith.constant 3 : i32
        %dma_start3A_591 = arith.constant 0 : i32
        %dma_start3A_592 = arith.constant 0 : i32
        %dma_start3A_593 = tpu.memref_slice %arg6[%dma_start3A_590, %dma_start3A_591, %dma_start3A_592] : memref<8x50x128xf32, #tpu.memory_space<vmem>> -> memref<1x50x128xf32, #tpu.memory_space<vmem>>
        %dma_start3A_594 = tpu.memref_squeeze %dma_start3A_593 : memref<1x50x128xf32, #tpu.memory_space<vmem>> -> memref<50x128xf32, #tpu.memory_space<vmem>>
        %dma_start3A_595 = arith.constant 0 : i32
        %dma_start3A_596 = tpu.memref_slice %arg5[%add3A_406, %dma_start3A_595] : memref<128x50xi32, #tpu.memory_space<vmem>> -> memref<1x50xi32, #tpu.memory_space<vmem>>
        %dma_start3A_597 = tpu.memref_squeeze %dma_start3A_596 : memref<1x50xi32, #tpu.memory_space<vmem>> -> memref<50xi32, #tpu.memory_space<vmem>>
        %dma_start3A_598 = arith.constant 0 : i32
        %dma_start3A_599 = arith.constant 0 : i32
        %dma_start3A_600 = tpu.memref_slice %arg2[%dma_start3A_598, %dma_start3A_599] : memref<1000000x128xf32, #tpu.memory_space<hbm>> -> memref<1000000x128xf32, #tpu.memory_space<hbm>>
        tpu.enqueue_indirect_dma source(%dma_start3A_600 : memref<1000000x128xf32, #tpu.memory_space<hbm>>) target(%dma_start3A_594 : memref<50x128xf32, #tpu.memory_space<vmem>>) offsets(%dma_start3A_597 : memref<50xi32, #tpu.memory_space<vmem>>) semaphore(%arg10 : memref<!tpu.dma_semaphore, #tpu.memory_space<semaphore_mem>>)
      } else {
      }
      %mul3A_412 = arith.constant 8 : i32
      %mul3A_413 = arith.muli %scan3A_254, %mul3A_412 : i32
      %add3A_414 = arith.constant 4 : i32
      %add3A_415 = arith.addi %mul3A_413, %add3A_414 : i32
      %dma_wait3A_416 = arith.constant 4 : i32
      %dma_wait3A_417 = arith.constant 0 : i32
      %dma_wait3A_418 = arith.constant 0 : i32
      %dma_wait3A_419 = tpu.memref_slice %arg6[%dma_wait3A_416, %dma_wait3A_417, %dma_wait3A_418] : memref<8x50x128xf32, #tpu.memory_space<vmem>> -> memref<1x50x128xf32, #tpu.memory_space<vmem>>
      %dma_wait3A_420 = tpu.memref_squeeze %dma_wait3A_419 : memref<1x50x128xf32, #tpu.memory_space<vmem>> -> memref<50x128xf32, #tpu.memory_space<vmem>>
      %dma_wait3A_421 = arith.constant 0 : i32
      %dma_wait3A_422 = tpu.memref_slice %arg5[%add3A_415, %dma_wait3A_421] : memref<128x50xi32, #tpu.memory_space<vmem>> -> memref<1x50xi32, #tpu.memory_space<vmem>>
      %dma_wait3A_423 = tpu.memref_squeeze %dma_wait3A_422 : memref<1x50xi32, #tpu.memory_space<vmem>> -> memref<50xi32, #tpu.memory_space<vmem>>
      %dma_wait3A_424 = arith.constant 0 : i32
      %dma_wait3A_425 = arith.constant 0 : i32
      %dma_wait3A_426 = tpu.memref_slice %arg2[%dma_wait3A_424, %dma_wait3A_425] : memref<1000000x128xf32, #tpu.memory_space<hbm>> -> memref<1000000x128xf32, #tpu.memory_space<hbm>>
      tpu.wait_indirect_dma semaphore(%arg11 : memref<!tpu.dma_semaphore, #tpu.memory_space<semaphore_mem>>) src(%dma_wait3A_426 : memref<1000000x128xf32, #tpu.memory_space<hbm>>) dst(%dma_wait3A_420 : memref<50x128xf32, #tpu.memory_space<vmem>>)
      %add3A_427 = arith.addi %mul3A_2, %add3A_415 : i32
      %dma_start3A_428 = arith.constant 4 : i32
      %dma_start3A_429 = arith.constant 0 : i32
      %dma_start3A_430 = arith.constant 0 : i32
      %dma_start3A_431 = tpu.memref_slice %arg6[%dma_start3A_428, %dma_start3A_429, %dma_start3A_430] : memref<8x50x128xf32, #tpu.memory_space<vmem>> -> memref<1x50x64xf32, #tpu.memory_space<vmem>>
      %dma_start3A_432 = tpu.memref_squeeze %dma_start3A_431 : memref<1x50x64xf32, #tpu.memory_space<vmem>> -> memref<50x64xf32, #tpu.memory_space<vmem>>
      %dma_start3A_433 = arith.constant 0 : i32
      %dma_start3A_434 = arith.constant 0 : i32
      %dma_start3A_435 = tpu.memref_slice %arg4[%add3A_427, %dma_start3A_433, %dma_start3A_434] : memref<4096x50x64xf32, #tpu.memory_space<hbm>> -> memref<1x50x64xf32, #tpu.memory_space<hbm>>
      %dma_start3A_436 = tpu.memref_squeeze %dma_start3A_435 : memref<1x50x64xf32, #tpu.memory_space<hbm>> -> memref<50x64xf32, #tpu.memory_space<hbm>>
      %dma_start3A_437 = arith.constant 0 : i32
      %dma_start3A_438 = arith.constant 0 : i32
      %dma_start3A_439 = tpu.memref_slice %arg4[%add3A_427, %dma_start3A_437, %dma_start3A_438] : memref<4096x50x64xf32, #tpu.memory_space<hbm>> -> memref<1x50x64xf32, #tpu.memory_space<hbm>>
      %dma_start3A_440 = tpu.memref_squeeze %dma_start3A_439 : memref<1x50x64xf32, #tpu.memory_space<hbm>> -> memref<50x64xf32, #tpu.memory_space<hbm>>
      %dma_start3A_441 = arith.constant 0 : i32
      %dma_start3A_442 = arith.constant 0 : i32
      %dma_start3A_443 = tpu.memref_slice %arg6[%dma_start3A_428, %dma_start3A_441, %dma_start3A_442] : memref<8x50x128xf32, #tpu.memory_space<vmem>> -> memref<1x50x64xf32, #tpu.memory_space<vmem>>
      %dma_start3A_444 = tpu.memref_squeeze %dma_start3A_443 : memref<1x50x64xf32, #tpu.memory_space<vmem>> -> memref<50x64xf32, #tpu.memory_space<vmem>>
      tpu.enqueue_dma source(%dma_start3A_444 : memref<50x64xf32, #tpu.memory_space<vmem>>) target(%dma_start3A_440 : memref<50x64xf32, #tpu.memory_space<hbm>>) target_semaphore(%arg19 : memref<!tpu.dma_semaphore, #tpu.memory_space<semaphore_mem>>)
      %add3A_445 = arith.constant 8 : i32
      %add3A_446 = arith.addi %add3A_415, %add3A_445 : i32
      %lt3A_447 = arith.constant 128 : i32
      %lt3A_448 = arith.cmpi slt, %add3A_446, %lt3A_447 : i32
      %convert_element_type3A_449 = arith.extui %lt3A_448 : i1 to i32
      %cond3A_450 = arith.constant 0 : i32
      %cond3A_451 = arith.cmpi ne, %convert_element_type3A_449, %cond3A_450 : i32
      scf.if %cond3A_451 {
        %add3A_572 = arith.addi %mul3A_2, %add3A_415 : i32
        %dma_wait3A_573 = arith.constant 4 : i32
        %dma_wait3A_574 = arith.constant 0 : i32
        %dma_wait3A_575 = arith.constant 0 : i32
        %dma_wait3A_576 = tpu.memref_slice %arg6[%dma_wait3A_573, %dma_wait3A_574, %dma_wait3A_575] : memref<8x50x128xf32, #tpu.memory_space<vmem>> -> memref<1x50x64xf32, #tpu.memory_space<vmem>>
        %dma_wait3A_577 = tpu.memref_squeeze %dma_wait3A_576 : memref<1x50x64xf32, #tpu.memory_space<vmem>> -> memref<50x64xf32, #tpu.memory_space<vmem>>
        %dma_wait3A_578 = arith.constant 0 : i32
        %dma_wait3A_579 = arith.constant 0 : i32
        %dma_wait3A_580 = tpu.memref_slice %arg4[%add3A_572, %dma_wait3A_578, %dma_wait3A_579] : memref<4096x50x64xf32, #tpu.memory_space<hbm>> -> memref<1x50x64xf32, #tpu.memory_space<hbm>>
        %dma_wait3A_581 = tpu.memref_squeeze %dma_wait3A_580 : memref<1x50x64xf32, #tpu.memory_space<hbm>> -> memref<50x64xf32, #tpu.memory_space<hbm>>
        %dma_wait3A_582 = arith.constant 0 : i32
        %dma_wait3A_583 = arith.constant 0 : i32
        %dma_wait3A_584 = tpu.memref_slice %arg4[%add3A_572, %dma_wait3A_582, %dma_wait3A_583] : memref<4096x50x64xf32, #tpu.memory_space<hbm>> -> memref<1x50x64xf32, #tpu.memory_space<hbm>>
        %dma_wait3A_585 = tpu.memref_squeeze %dma_wait3A_584 : memref<1x50x64xf32, #tpu.memory_space<hbm>> -> memref<50x64xf32, #tpu.memory_space<hbm>>
        %dma_wait3A_586 = arith.constant 0 : i32
        %dma_wait3A_587 = arith.constant 0 : i32
        %dma_wait3A_588 = tpu.memref_slice %arg6[%dma_wait3A_573, %dma_wait3A_586, %dma_wait3A_587] : memref<8x50x128xf32, #tpu.memory_space<vmem>> -> memref<1x50x64xf32, #tpu.memory_space<vmem>>
        %dma_wait3A_589 = tpu.memref_squeeze %dma_wait3A_588 : memref<1x50x64xf32, #tpu.memory_space<vmem>> -> memref<50x64xf32, #tpu.memory_space<vmem>>
        tpu.wait_dma2 semaphore(%arg19 : memref<!tpu.dma_semaphore, #tpu.memory_space<semaphore_mem>>) src(%dma_wait3A_589 : memref<50x64xf32, #tpu.memory_space<vmem>>) dst(%dma_wait3A_585 : memref<50x64xf32, #tpu.memory_space<hbm>>)
        %dma_start3A_590 = arith.constant 4 : i32
        %dma_start3A_591 = arith.constant 0 : i32
        %dma_start3A_592 = arith.constant 0 : i32
        %dma_start3A_593 = tpu.memref_slice %arg6[%dma_start3A_590, %dma_start3A_591, %dma_start3A_592] : memref<8x50x128xf32, #tpu.memory_space<vmem>> -> memref<1x50x128xf32, #tpu.memory_space<vmem>>
        %dma_start3A_594 = tpu.memref_squeeze %dma_start3A_593 : memref<1x50x128xf32, #tpu.memory_space<vmem>> -> memref<50x128xf32, #tpu.memory_space<vmem>>
        %dma_start3A_595 = arith.constant 0 : i32
        %dma_start3A_596 = tpu.memref_slice %arg5[%add3A_446, %dma_start3A_595] : memref<128x50xi32, #tpu.memory_space<vmem>> -> memref<1x50xi32, #tpu.memory_space<vmem>>
        %dma_start3A_597 = tpu.memref_squeeze %dma_start3A_596 : memref<1x50xi32, #tpu.memory_space<vmem>> -> memref<50xi32, #tpu.memory_space<vmem>>
        %dma_start3A_598 = arith.constant 0 : i32
        %dma_start3A_599 = arith.constant 0 : i32
        %dma_start3A_600 = tpu.memref_slice %arg2[%dma_start3A_598, %dma_start3A_599] : memref<1000000x128xf32, #tpu.memory_space<hbm>> -> memref<1000000x128xf32, #tpu.memory_space<hbm>>
        tpu.enqueue_indirect_dma source(%dma_start3A_600 : memref<1000000x128xf32, #tpu.memory_space<hbm>>) target(%dma_start3A_594 : memref<50x128xf32, #tpu.memory_space<vmem>>) offsets(%dma_start3A_597 : memref<50xi32, #tpu.memory_space<vmem>>) semaphore(%arg11 : memref<!tpu.dma_semaphore, #tpu.memory_space<semaphore_mem>>)
      } else {
      }
      %mul3A_452 = arith.constant 8 : i32
      %mul3A_453 = arith.muli %scan3A_254, %mul3A_452 : i32
      %add3A_454 = arith.constant 5 : i32
      %add3A_455 = arith.addi %mul3A_453, %add3A_454 : i32
      %dma_wait3A_456 = arith.constant 5 : i32
      %dma_wait3A_457 = arith.constant 0 : i32
      %dma_wait3A_458 = arith.constant 0 : i32
      %dma_wait3A_459 = tpu.memref_slice %arg6[%dma_wait3A_456, %dma_wait3A_457, %dma_wait3A_458] : memref<8x50x128xf32, #tpu.memory_space<vmem>> -> memref<1x50x128xf32, #tpu.memory_space<vmem>>
      %dma_wait3A_460 = tpu.memref_squeeze %dma_wait3A_459 : memref<1x50x128xf32, #tpu.memory_space<vmem>> -> memref<50x128xf32, #tpu.memory_space<vmem>>
      %dma_wait3A_461 = arith.constant 0 : i32
      %dma_wait3A_462 = tpu.memref_slice %arg5[%add3A_455, %dma_wait3A_461] : memref<128x50xi32, #tpu.memory_space<vmem>> -> memref<1x50xi32, #tpu.memory_space<vmem>>
      %dma_wait3A_463 = tpu.memref_squeeze %dma_wait3A_462 : memref<1x50xi32, #tpu.memory_space<vmem>> -> memref<50xi32, #tpu.memory_space<vmem>>
      %dma_wait3A_464 = arith.constant 0 : i32
      %dma_wait3A_465 = arith.constant 0 : i32
      %dma_wait3A_466 = tpu.memref_slice %arg2[%dma_wait3A_464, %dma_wait3A_465] : memref<1000000x128xf32, #tpu.memory_space<hbm>> -> memref<1000000x128xf32, #tpu.memory_space<hbm>>
      tpu.wait_indirect_dma semaphore(%arg12 : memref<!tpu.dma_semaphore, #tpu.memory_space<semaphore_mem>>) src(%dma_wait3A_466 : memref<1000000x128xf32, #tpu.memory_space<hbm>>) dst(%dma_wait3A_460 : memref<50x128xf32, #tpu.memory_space<vmem>>)
      %add3A_467 = arith.addi %mul3A_2, %add3A_455 : i32
      %dma_start3A_468 = arith.constant 5 : i32
      %dma_start3A_469 = arith.constant 0 : i32
      %dma_start3A_470 = arith.constant 0 : i32
      %dma_start3A_471 = tpu.memref_slice %arg6[%dma_start3A_468, %dma_start3A_469, %dma_start3A_470] : memref<8x50x128xf32, #tpu.memory_space<vmem>> -> memref<1x50x64xf32, #tpu.memory_space<vmem>>
      %dma_start3A_472 = tpu.memref_squeeze %dma_start3A_471 : memref<1x50x64xf32, #tpu.memory_space<vmem>> -> memref<50x64xf32, #tpu.memory_space<vmem>>
      %dma_start3A_473 = arith.constant 0 : i32
      %dma_start3A_474 = arith.constant 0 : i32
      %dma_start3A_475 = tpu.memref_slice %arg4[%add3A_467, %dma_start3A_473, %dma_start3A_474] : memref<4096x50x64xf32, #tpu.memory_space<hbm>> -> memref<1x50x64xf32, #tpu.memory_space<hbm>>
      %dma_start3A_476 = tpu.memref_squeeze %dma_start3A_475 : memref<1x50x64xf32, #tpu.memory_space<hbm>> -> memref<50x64xf32, #tpu.memory_space<hbm>>
      %dma_start3A_477 = arith.constant 0 : i32
      %dma_start3A_478 = arith.constant 0 : i32
      %dma_start3A_479 = tpu.memref_slice %arg4[%add3A_467, %dma_start3A_477, %dma_start3A_478] : memref<4096x50x64xf32, #tpu.memory_space<hbm>> -> memref<1x50x64xf32, #tpu.memory_space<hbm>>
      %dma_start3A_480 = tpu.memref_squeeze %dma_start3A_479 : memref<1x50x64xf32, #tpu.memory_space<hbm>> -> memref<50x64xf32, #tpu.memory_space<hbm>>
      %dma_start3A_481 = arith.constant 0 : i32
      %dma_start3A_482 = arith.constant 0 : i32
      %dma_start3A_483 = tpu.memref_slice %arg6[%dma_start3A_468, %dma_start3A_481, %dma_start3A_482] : memref<8x50x128xf32, #tpu.memory_space<vmem>> -> memref<1x50x64xf32, #tpu.memory_space<vmem>>
      %dma_start3A_484 = tpu.memref_squeeze %dma_start3A_483 : memref<1x50x64xf32, #tpu.memory_space<vmem>> -> memref<50x64xf32, #tpu.memory_space<vmem>>
      tpu.enqueue_dma source(%dma_start3A_484 : memref<50x64xf32, #tpu.memory_space<vmem>>) target(%dma_start3A_480 : memref<50x64xf32, #tpu.memory_space<hbm>>) target_semaphore(%arg20 : memref<!tpu.dma_semaphore, #tpu.memory_space<semaphore_mem>>)
      %add3A_485 = arith.constant 8 : i32
      %add3A_486 = arith.addi %add3A_455, %add3A_485 : i32
      %lt3A_487 = arith.constant 128 : i32
      %lt3A_488 = arith.cmpi slt, %add3A_486, %lt3A_487 : i32
      %convert_element_type3A_489 = arith.extui %lt3A_488 : i1 to i32
      %cond3A_490 = arith.constant 0 : i32
      %cond3A_491 = arith.cmpi ne, %convert_element_type3A_489, %cond3A_490 : i32
      scf.if %cond3A_491 {
        %add3A_572 = arith.addi %mul3A_2, %add3A_455 : i32
        %dma_wait3A_573 = arith.constant 5 : i32
        %dma_wait3A_574 = arith.constant 0 : i32
        %dma_wait3A_575 = arith.constant 0 : i32
        %dma_wait3A_576 = tpu.memref_slice %arg6[%dma_wait3A_573, %dma_wait3A_574, %dma_wait3A_575] : memref<8x50x128xf32, #tpu.memory_space<vmem>> -> memref<1x50x64xf32, #tpu.memory_space<vmem>>
        %dma_wait3A_577 = tpu.memref_squeeze %dma_wait3A_576 : memref<1x50x64xf32, #tpu.memory_space<vmem>> -> memref<50x64xf32, #tpu.memory_space<vmem>>
        %dma_wait3A_578 = arith.constant 0 : i32
        %dma_wait3A_579 = arith.constant 0 : i32
        %dma_wait3A_580 = tpu.memref_slice %arg4[%add3A_572, %dma_wait3A_578, %dma_wait3A_579] : memref<4096x50x64xf32, #tpu.memory_space<hbm>> -> memref<1x50x64xf32, #tpu.memory_space<hbm>>
        %dma_wait3A_581 = tpu.memref_squeeze %dma_wait3A_580 : memref<1x50x64xf32, #tpu.memory_space<hbm>> -> memref<50x64xf32, #tpu.memory_space<hbm>>
        %dma_wait3A_582 = arith.constant 0 : i32
        %dma_wait3A_583 = arith.constant 0 : i32
        %dma_wait3A_584 = tpu.memref_slice %arg4[%add3A_572, %dma_wait3A_582, %dma_wait3A_583] : memref<4096x50x64xf32, #tpu.memory_space<hbm>> -> memref<1x50x64xf32, #tpu.memory_space<hbm>>
        %dma_wait3A_585 = tpu.memref_squeeze %dma_wait3A_584 : memref<1x50x64xf32, #tpu.memory_space<hbm>> -> memref<50x64xf32, #tpu.memory_space<hbm>>
        %dma_wait3A_586 = arith.constant 0 : i32
        %dma_wait3A_587 = arith.constant 0 : i32
        %dma_wait3A_588 = tpu.memref_slice %arg6[%dma_wait3A_573, %dma_wait3A_586, %dma_wait3A_587] : memref<8x50x128xf32, #tpu.memory_space<vmem>> -> memref<1x50x64xf32, #tpu.memory_space<vmem>>
        %dma_wait3A_589 = tpu.memref_squeeze %dma_wait3A_588 : memref<1x50x64xf32, #tpu.memory_space<vmem>> -> memref<50x64xf32, #tpu.memory_space<vmem>>
        tpu.wait_dma2 semaphore(%arg20 : memref<!tpu.dma_semaphore, #tpu.memory_space<semaphore_mem>>) src(%dma_wait3A_589 : memref<50x64xf32, #tpu.memory_space<vmem>>) dst(%dma_wait3A_585 : memref<50x64xf32, #tpu.memory_space<hbm>>)
        %dma_start3A_590 = arith.constant 5 : i32
        %dma_start3A_591 = arith.constant 0 : i32
        %dma_start3A_592 = arith.constant 0 : i32
        %dma_start3A_593 = tpu.memref_slice %arg6[%dma_start3A_590, %dma_start3A_591, %dma_start3A_592] : memref<8x50x128xf32, #tpu.memory_space<vmem>> -> memref<1x50x128xf32, #tpu.memory_space<vmem>>
        %dma_start3A_594 = tpu.memref_squeeze %dma_start3A_593 : memref<1x50x128xf32, #tpu.memory_space<vmem>> -> memref<50x128xf32, #tpu.memory_space<vmem>>
        %dma_start3A_595 = arith.constant 0 : i32
        %dma_start3A_596 = tpu.memref_slice %arg5[%add3A_486, %dma_start3A_595] : memref<128x50xi32, #tpu.memory_space<vmem>> -> memref<1x50xi32, #tpu.memory_space<vmem>>
        %dma_start3A_597 = tpu.memref_squeeze %dma_start3A_596 : memref<1x50xi32, #tpu.memory_space<vmem>> -> memref<50xi32, #tpu.memory_space<vmem>>
        %dma_start3A_598 = arith.constant 0 : i32
        %dma_start3A_599 = arith.constant 0 : i32
        %dma_start3A_600 = tpu.memref_slice %arg2[%dma_start3A_598, %dma_start3A_599] : memref<1000000x128xf32, #tpu.memory_space<hbm>> -> memref<1000000x128xf32, #tpu.memory_space<hbm>>
        tpu.enqueue_indirect_dma source(%dma_start3A_600 : memref<1000000x128xf32, #tpu.memory_space<hbm>>) target(%dma_start3A_594 : memref<50x128xf32, #tpu.memory_space<vmem>>) offsets(%dma_start3A_597 : memref<50xi32, #tpu.memory_space<vmem>>) semaphore(%arg12 : memref<!tpu.dma_semaphore, #tpu.memory_space<semaphore_mem>>)
      } else {
      }
      %mul3A_492 = arith.constant 8 : i32
      %mul3A_493 = arith.muli %scan3A_254, %mul3A_492 : i32
      %add3A_494 = arith.constant 6 : i32
      %add3A_495 = arith.addi %mul3A_493, %add3A_494 : i32
      %dma_wait3A_496 = arith.constant 6 : i32
      %dma_wait3A_497 = arith.constant 0 : i32
      %dma_wait3A_498 = arith.constant 0 : i32
      %dma_wait3A_499 = tpu.memref_slice %arg6[%dma_wait3A_496, %dma_wait3A_497, %dma_wait3A_498] : memref<8x50x128xf32, #tpu.memory_space<vmem>> -> memref<1x50x128xf32, #tpu.memory_space<vmem>>
      %dma_wait3A_500 = tpu.memref_squeeze %dma_wait3A_499 : memref<1x50x128xf32, #tpu.memory_space<vmem>> -> memref<50x128xf32, #tpu.memory_space<vmem>>
      %dma_wait3A_501 = arith.constant 0 : i32
      %dma_wait3A_502 = tpu.memref_slice %arg5[%add3A_495, %dma_wait3A_501] : memref<128x50xi32, #tpu.memory_space<vmem>> -> memref<1x50xi32, #tpu.memory_space<vmem>>
      %dma_wait3A_503 = tpu.memref_squeeze %dma_wait3A_502 : memref<1x50xi32, #tpu.memory_space<vmem>> -> memref<50xi32, #tpu.memory_space<vmem>>
      %dma_wait3A_504 = arith.constant 0 : i32
      %dma_wait3A_505 = arith.constant 0 : i32
      %dma_wait3A_506 = tpu.memref_slice %arg2[%dma_wait3A_504, %dma_wait3A_505] : memref<1000000x128xf32, #tpu.memory_space<hbm>> -> memref<1000000x128xf32, #tpu.memory_space<hbm>>
      tpu.wait_indirect_dma semaphore(%arg13 : memref<!tpu.dma_semaphore, #tpu.memory_space<semaphore_mem>>) src(%dma_wait3A_506 : memref<1000000x128xf32, #tpu.memory_space<hbm>>) dst(%dma_wait3A_500 : memref<50x128xf32, #tpu.memory_space<vmem>>)
      %add3A_507 = arith.addi %mul3A_2, %add3A_495 : i32
      %dma_start3A_508 = arith.constant 6 : i32
      %dma_start3A_509 = arith.constant 0 : i32
      %dma_start3A_510 = arith.constant 0 : i32
      %dma_start3A_511 = tpu.memref_slice %arg6[%dma_start3A_508, %dma_start3A_509, %dma_start3A_510] : memref<8x50x128xf32, #tpu.memory_space<vmem>> -> memref<1x50x64xf32, #tpu.memory_space<vmem>>
      %dma_start3A_512 = tpu.memref_squeeze %dma_start3A_511 : memref<1x50x64xf32, #tpu.memory_space<vmem>> -> memref<50x64xf32, #tpu.memory_space<vmem>>
      %dma_start3A_513 = arith.constant 0 : i32
      %dma_start3A_514 = arith.constant 0 : i32
      %dma_start3A_515 = tpu.memref_slice %arg4[%add3A_507, %dma_start3A_513, %dma_start3A_514] : memref<4096x50x64xf32, #tpu.memory_space<hbm>> -> memref<1x50x64xf32, #tpu.memory_space<hbm>>
      %dma_start3A_516 = tpu.memref_squeeze %dma_start3A_515 : memref<1x50x64xf32, #tpu.memory_space<hbm>> -> memref<50x64xf32, #tpu.memory_space<hbm>>
      %dma_start3A_517 = arith.constant 0 : i32
      %dma_start3A_518 = arith.constant 0 : i32
      %dma_start3A_519 = tpu.memref_slice %arg4[%add3A_507, %dma_start3A_517, %dma_start3A_518] : memref<4096x50x64xf32, #tpu.memory_space<hbm>> -> memref<1x50x64xf32, #tpu.memory_space<hbm>>
      %dma_start3A_520 = tpu.memref_squeeze %dma_start3A_519 : memref<1x50x64xf32, #tpu.memory_space<hbm>> -> memref<50x64xf32, #tpu.memory_space<hbm>>
      %dma_start3A_521 = arith.constant 0 : i32
      %dma_start3A_522 = arith.constant 0 : i32
      %dma_start3A_523 = tpu.memref_slice %arg6[%dma_start3A_508, %dma_start3A_521, %dma_start3A_522] : memref<8x50x128xf32, #tpu.memory_space<vmem>> -> memref<1x50x64xf32, #tpu.memory_space<vmem>>
      %dma_start3A_524 = tpu.memref_squeeze %dma_start3A_523 : memref<1x50x64xf32, #tpu.memory_space<vmem>> -> memref<50x64xf32, #tpu.memory_space<vmem>>
      tpu.enqueue_dma source(%dma_start3A_524 : memref<50x64xf32, #tpu.memory_space<vmem>>) target(%dma_start3A_520 : memref<50x64xf32, #tpu.memory_space<hbm>>) target_semaphore(%arg21 : memref<!tpu.dma_semaphore, #tpu.memory_space<semaphore_mem>>)
      %add3A_525 = arith.constant 8 : i32
      %add3A_526 = arith.addi %add3A_495, %add3A_525 : i32
      %lt3A_527 = arith.constant 128 : i32
      %lt3A_528 = arith.cmpi slt, %add3A_526, %lt3A_527 : i32
      %convert_element_type3A_529 = arith.extui %lt3A_528 : i1 to i32
      %cond3A_530 = arith.constant 0 : i32
      %cond3A_531 = arith.cmpi ne, %convert_element_type3A_529, %cond3A_530 : i32
      scf.if %cond3A_531 {
        %add3A_572 = arith.addi %mul3A_2, %add3A_495 : i32
        %dma_wait3A_573 = arith.constant 6 : i32
        %dma_wait3A_574 = arith.constant 0 : i32
        %dma_wait3A_575 = arith.constant 0 : i32
        %dma_wait3A_576 = tpu.memref_slice %arg6[%dma_wait3A_573, %dma_wait3A_574, %dma_wait3A_575] : memref<8x50x128xf32, #tpu.memory_space<vmem>> -> memref<1x50x64xf32, #tpu.memory_space<vmem>>
        %dma_wait3A_577 = tpu.memref_squeeze %dma_wait3A_576 : memref<1x50x64xf32, #tpu.memory_space<vmem>> -> memref<50x64xf32, #tpu.memory_space<vmem>>
        %dma_wait3A_578 = arith.constant 0 : i32
        %dma_wait3A_579 = arith.constant 0 : i32
        %dma_wait3A_580 = tpu.memref_slice %arg4[%add3A_572, %dma_wait3A_578, %dma_wait3A_579] : memref<4096x50x64xf32, #tpu.memory_space<hbm>> -> memref<1x50x64xf32, #tpu.memory_space<hbm>>
        %dma_wait3A_581 = tpu.memref_squeeze %dma_wait3A_580 : memref<1x50x64xf32, #tpu.memory_space<hbm>> -> memref<50x64xf32, #tpu.memory_space<hbm>>
        %dma_wait3A_582 = arith.constant 0 : i32
        %dma_wait3A_583 = arith.constant 0 : i32
        %dma_wait3A_584 = tpu.memref_slice %arg4[%add3A_572, %dma_wait3A_582, %dma_wait3A_583] : memref<4096x50x64xf32, #tpu.memory_space<hbm>> -> memref<1x50x64xf32, #tpu.memory_space<hbm>>
        %dma_wait3A_585 = tpu.memref_squeeze %dma_wait3A_584 : memref<1x50x64xf32, #tpu.memory_space<hbm>> -> memref<50x64xf32, #tpu.memory_space<hbm>>
        %dma_wait3A_586 = arith.constant 0 : i32
        %dma_wait3A_587 = arith.constant 0 : i32
        %dma_wait3A_588 = tpu.memref_slice %arg6[%dma_wait3A_573, %dma_wait3A_586, %dma_wait3A_587] : memref<8x50x128xf32, #tpu.memory_space<vmem>> -> memref<1x50x64xf32, #tpu.memory_space<vmem>>
        %dma_wait3A_589 = tpu.memref_squeeze %dma_wait3A_588 : memref<1x50x64xf32, #tpu.memory_space<vmem>> -> memref<50x64xf32, #tpu.memory_space<vmem>>
        tpu.wait_dma2 semaphore(%arg21 : memref<!tpu.dma_semaphore, #tpu.memory_space<semaphore_mem>>) src(%dma_wait3A_589 : memref<50x64xf32, #tpu.memory_space<vmem>>) dst(%dma_wait3A_585 : memref<50x64xf32, #tpu.memory_space<hbm>>)
        %dma_start3A_590 = arith.constant 6 : i32
        %dma_start3A_591 = arith.constant 0 : i32
        %dma_start3A_592 = arith.constant 0 : i32
        %dma_start3A_593 = tpu.memref_slice %arg6[%dma_start3A_590, %dma_start3A_591, %dma_start3A_592] : memref<8x50x128xf32, #tpu.memory_space<vmem>> -> memref<1x50x128xf32, #tpu.memory_space<vmem>>
        %dma_start3A_594 = tpu.memref_squeeze %dma_start3A_593 : memref<1x50x128xf32, #tpu.memory_space<vmem>> -> memref<50x128xf32, #tpu.memory_space<vmem>>
        %dma_start3A_595 = arith.constant 0 : i32
        %dma_start3A_596 = tpu.memref_slice %arg5[%add3A_526, %dma_start3A_595] : memref<128x50xi32, #tpu.memory_space<vmem>> -> memref<1x50xi32, #tpu.memory_space<vmem>>
        %dma_start3A_597 = tpu.memref_squeeze %dma_start3A_596 : memref<1x50xi32, #tpu.memory_space<vmem>> -> memref<50xi32, #tpu.memory_space<vmem>>
        %dma_start3A_598 = arith.constant 0 : i32
        %dma_start3A_599 = arith.constant 0 : i32
        %dma_start3A_600 = tpu.memref_slice %arg2[%dma_start3A_598, %dma_start3A_599] : memref<1000000x128xf32, #tpu.memory_space<hbm>> -> memref<1000000x128xf32, #tpu.memory_space<hbm>>
        tpu.enqueue_indirect_dma source(%dma_start3A_600 : memref<1000000x128xf32, #tpu.memory_space<hbm>>) target(%dma_start3A_594 : memref<50x128xf32, #tpu.memory_space<vmem>>) offsets(%dma_start3A_597 : memref<50xi32, #tpu.memory_space<vmem>>) semaphore(%arg13 : memref<!tpu.dma_semaphore, #tpu.memory_space<semaphore_mem>>)
      } else {
      }
      %mul3A_532 = arith.constant 8 : i32
      %mul3A_533 = arith.muli %scan3A_254, %mul3A_532 : i32
      %add3A_534 = arith.constant 7 : i32
      %add3A_535 = arith.addi %mul3A_533, %add3A_534 : i32
      %dma_wait3A_536 = arith.constant 7 : i32
      %dma_wait3A_537 = arith.constant 0 : i32
      %dma_wait3A_538 = arith.constant 0 : i32
      %dma_wait3A_539 = tpu.memref_slice %arg6[%dma_wait3A_536, %dma_wait3A_537, %dma_wait3A_538] : memref<8x50x128xf32, #tpu.memory_space<vmem>> -> memref<1x50x128xf32, #tpu.memory_space<vmem>>
      %dma_wait3A_540 = tpu.memref_squeeze %dma_wait3A_539 : memref<1x50x128xf32, #tpu.memory_space<vmem>> -> memref<50x128xf32, #tpu.memory_space<vmem>>
      %dma_wait3A_541 = arith.constant 0 : i32
      %dma_wait3A_542 = tpu.memref_slice %arg5[%add3A_535, %dma_wait3A_541] : memref<128x50xi32, #tpu.memory_space<vmem>> -> memref<1x50xi32, #tpu.memory_space<vmem>>
      %dma_wait3A_543 = tpu.memref_squeeze %dma_wait3A_542 : memref<1x50xi32, #tpu.memory_space<vmem>> -> memref<50xi32, #tpu.memory_space<vmem>>
      %dma_wait3A_544 = arith.constant 0 : i32
      %dma_wait3A_545 = arith.constant 0 : i32
      %dma_wait3A_546 = tpu.memref_slice %arg2[%dma_wait3A_544, %dma_wait3A_545] : memref<1000000x128xf32, #tpu.memory_space<hbm>> -> memref<1000000x128xf32, #tpu.memory_space<hbm>>
      tpu.wait_indirect_dma semaphore(%arg14 : memref<!tpu.dma_semaphore, #tpu.memory_space<semaphore_mem>>) src(%dma_wait3A_546 : memref<1000000x128xf32, #tpu.memory_space<hbm>>) dst(%dma_wait3A_540 : memref<50x128xf32, #tpu.memory_space<vmem>>)
      %add3A_547 = arith.addi %mul3A_2, %add3A_535 : i32
      %dma_start3A_548 = arith.constant 7 : i32
      %dma_start3A_549 = arith.constant 0 : i32
      %dma_start3A_550 = arith.constant 0 : i32
      %dma_start3A_551 = tpu.memref_slice %arg6[%dma_start3A_548, %dma_start3A_549, %dma_start3A_550] : memref<8x50x128xf32, #tpu.memory_space<vmem>> -> memref<1x50x64xf32, #tpu.memory_space<vmem>>
      %dma_start3A_552 = tpu.memref_squeeze %dma_start3A_551 : memref<1x50x64xf32, #tpu.memory_space<vmem>> -> memref<50x64xf32, #tpu.memory_space<vmem>>
      %dma_start3A_553 = arith.constant 0 : i32
      %dma_start3A_554 = arith.constant 0 : i32
      %dma_start3A_555 = tpu.memref_slice %arg4[%add3A_547, %dma_start3A_553, %dma_start3A_554] : memref<4096x50x64xf32, #tpu.memory_space<hbm>> -> memref<1x50x64xf32, #tpu.memory_space<hbm>>
      %dma_start3A_556 = tpu.memref_squeeze %dma_start3A_555 : memref<1x50x64xf32, #tpu.memory_space<hbm>> -> memref<50x64xf32, #tpu.memory_space<hbm>>
      %dma_start3A_557 = arith.constant 0 : i32
      %dma_start3A_558 = arith.constant 0 : i32
      %dma_start3A_559 = tpu.memref_slice %arg4[%add3A_547, %dma_start3A_557, %dma_start3A_558] : memref<4096x50x64xf32, #tpu.memory_space<hbm>> -> memref<1x50x64xf32, #tpu.memory_space<hbm>>
      %dma_start3A_560 = tpu.memref_squeeze %dma_start3A_559 : memref<1x50x64xf32, #tpu.memory_space<hbm>> -> memref<50x64xf32, #tpu.memory_space<hbm>>
      %dma_start3A_561 = arith.constant 0 : i32
      %dma_start3A_562 = arith.constant 0 : i32
      %dma_start3A_563 = tpu.memref_slice %arg6[%dma_start3A_548, %dma_start3A_561, %dma_start3A_562] : memref<8x50x128xf32, #tpu.memory_space<vmem>> -> memref<1x50x64xf32, #tpu.memory_space<vmem>>
      %dma_start3A_564 = tpu.memref_squeeze %dma_start3A_563 : memref<1x50x64xf32, #tpu.memory_space<vmem>> -> memref<50x64xf32, #tpu.memory_space<vmem>>
      tpu.enqueue_dma source(%dma_start3A_564 : memref<50x64xf32, #tpu.memory_space<vmem>>) target(%dma_start3A_560 : memref<50x64xf32, #tpu.memory_space<hbm>>) target_semaphore(%arg22 : memref<!tpu.dma_semaphore, #tpu.memory_space<semaphore_mem>>)
      %add3A_565 = arith.constant 8 : i32
      %add3A_566 = arith.addi %add3A_535, %add3A_565 : i32
      %lt3A_567 = arith.constant 128 : i32
      %lt3A_568 = arith.cmpi slt, %add3A_566, %lt3A_567 : i32
      %convert_element_type3A_569 = arith.extui %lt3A_568 : i1 to i32
      %cond3A_570 = arith.constant 0 : i32
      %cond3A_571 = arith.cmpi ne, %convert_element_type3A_569, %cond3A_570 : i32
      scf.if %cond3A_571 {
        %add3A_572 = arith.addi %mul3A_2, %add3A_535 : i32
        %dma_wait3A_573 = arith.constant 7 : i32
        %dma_wait3A_574 = arith.constant 0 : i32
        %dma_wait3A_575 = arith.constant 0 : i32
        %dma_wait3A_576 = tpu.memref_slice %arg6[%dma_wait3A_573, %dma_wait3A_574, %dma_wait3A_575] : memref<8x50x128xf32, #tpu.memory_space<vmem>> -> memref<1x50x64xf32, #tpu.memory_space<vmem>>
        %dma_wait3A_577 = tpu.memref_squeeze %dma_wait3A_576 : memref<1x50x64xf32, #tpu.memory_space<vmem>> -> memref<50x64xf32, #tpu.memory_space<vmem>>
        %dma_wait3A_578 = arith.constant 0 : i32
        %dma_wait3A_579 = arith.constant 0 : i32
        %dma_wait3A_580 = tpu.memref_slice %arg4[%add3A_572, %dma_wait3A_578, %dma_wait3A_579] : memref<4096x50x64xf32, #tpu.memory_space<hbm>> -> memref<1x50x64xf32, #tpu.memory_space<hbm>>
        %dma_wait3A_581 = tpu.memref_squeeze %dma_wait3A_580 : memref<1x50x64xf32, #tpu.memory_space<hbm>> -> memref<50x64xf32, #tpu.memory_space<hbm>>
        %dma_wait3A_582 = arith.constant 0 : i32
        %dma_wait3A_583 = arith.constant 0 : i32
        %dma_wait3A_584 = tpu.memref_slice %arg4[%add3A_572, %dma_wait3A_582, %dma_wait3A_583] : memref<4096x50x64xf32, #tpu.memory_space<hbm>> -> memref<1x50x64xf32, #tpu.memory_space<hbm>>
        %dma_wait3A_585 = tpu.memref_squeeze %dma_wait3A_584 : memref<1x50x64xf32, #tpu.memory_space<hbm>> -> memref<50x64xf32, #tpu.memory_space<hbm>>
        %dma_wait3A_586 = arith.constant 0 : i32
        %dma_wait3A_587 = arith.constant 0 : i32
        %dma_wait3A_588 = tpu.memref_slice %arg6[%dma_wait3A_573, %dma_wait3A_586, %dma_wait3A_587] : memref<8x50x128xf32, #tpu.memory_space<vmem>> -> memref<1x50x64xf32, #tpu.memory_space<vmem>>
        %dma_wait3A_589 = tpu.memref_squeeze %dma_wait3A_588 : memref<1x50x64xf32, #tpu.memory_space<vmem>> -> memref<50x64xf32, #tpu.memory_space<vmem>>
        tpu.wait_dma2 semaphore(%arg22 : memref<!tpu.dma_semaphore, #tpu.memory_space<semaphore_mem>>) src(%dma_wait3A_589 : memref<50x64xf32, #tpu.memory_space<vmem>>) dst(%dma_wait3A_585 : memref<50x64xf32, #tpu.memory_space<hbm>>)
        %dma_start3A_590 = arith.constant 7 : i32
        %dma_start3A_591 = arith.constant 0 : i32
        %dma_start3A_592 = arith.constant 0 : i32
        %dma_start3A_593 = tpu.memref_slice %arg6[%dma_start3A_590, %dma_start3A_591, %dma_start3A_592] : memref<8x50x128xf32, #tpu.memory_space<vmem>> -> memref<1x50x128xf32, #tpu.memory_space<vmem>>
        %dma_start3A_594 = tpu.memref_squeeze %dma_start3A_593 : memref<1x50x128xf32, #tpu.memory_space<vmem>> -> memref<50x128xf32, #tpu.memory_space<vmem>>
        %dma_start3A_595 = arith.constant 0 : i32
        %dma_start3A_596 = tpu.memref_slice %arg5[%add3A_566, %dma_start3A_595] : memref<128x50xi32, #tpu.memory_space<vmem>> -> memref<1x50xi32, #tpu.memory_space<vmem>>
        %dma_start3A_597 = tpu.memref_squeeze %dma_start3A_596 : memref<1x50xi32, #tpu.memory_space<vmem>> -> memref<50xi32, #tpu.memory_space<vmem>>
        %dma_start3A_598 = arith.constant 0 : i32
        %dma_start3A_599 = arith.constant 0 : i32
        %dma_start3A_600 = tpu.memref_slice %arg2[%dma_start3A_598, %dma_start3A_599] : memref<1000000x128xf32, #tpu.memory_space<hbm>> -> memref<1000000x128xf32, #tpu.memory_space<hbm>>
        tpu.enqueue_indirect_dma source(%dma_start3A_600 : memref<1000000x128xf32, #tpu.memory_space<hbm>>) target(%dma_start3A_594 : memref<50x128xf32, #tpu.memory_space<vmem>>) offsets(%dma_start3A_597 : memref<50xi32, #tpu.memory_space<vmem>>) semaphore(%arg14 : memref<!tpu.dma_semaphore, #tpu.memory_space<semaphore_mem>>)
      } else {
      }
    }
    %scan3A_102 = arith.constant 16 : i32
    %add3A_103 = arith.constant 120 : i32
    %add3A_104 = arith.addi %mul3A_2, %add3A_103 : i32
    %dma_wait3A = arith.constant 0 : i32
    %dma_wait3A_105 = arith.constant 0 : i32
    %dma_wait3A_106 = arith.constant 0 : i32
    %dma_wait3A_107 = tpu.memref_slice %arg6[%dma_wait3A, %dma_wait3A_105, %dma_wait3A_106] : memref<8x50x128xf32, #tpu.memory_space<vmem>> -> memref<1x50x64xf32, #tpu.memory_space<vmem>>
    %dma_wait3A_108 = tpu.memref_squeeze %dma_wait3A_107 : memref<1x50x64xf32, #tpu.memory_space<vmem>> -> memref<50x64xf32, #tpu.memory_space<vmem>>
    %dma_wait3A_109 = arith.constant 0 : i32
    %dma_wait3A_110 = arith.constant 0 : i32
    %dma_wait3A_111 = tpu.memref_slice %arg4[%add3A_104, %dma_wait3A_109, %dma_wait3A_110] : memref<4096x50x64xf32, #tpu.memory_space<hbm>> -> memref<1x50x64xf32, #tpu.memory_space<hbm>>
    %dma_wait3A_112 = tpu.memref_squeeze %dma_wait3A_111 : memref<1x50x64xf32, #tpu.memory_space<hbm>> -> memref<50x64xf32, #tpu.memory_space<hbm>>
    %dma_wait3A_113 = arith.constant 0 : i32
    %dma_wait3A_114 = arith.constant 0 : i32
    %dma_wait3A_115 = tpu.memref_slice %arg4[%add3A_104, %dma_wait3A_113, %dma_wait3A_114] : memref<4096x50x64xf32, #tpu.memory_space<hbm>> -> memref<1x50x64xf32, #tpu.memory_space<hbm>>
    %dma_wait3A_116 = tpu.memref_squeeze %dma_wait3A_115 : memref<1x50x64xf32, #tpu.memory_space<hbm>> -> memref<50x64xf32, #tpu.memory_space<hbm>>
    %dma_wait3A_117 = arith.constant 0 : i32
    %dma_wait3A_118 = arith.constant 0 : i32
    %dma_wait3A_119 = tpu.memref_slice %arg6[%dma_wait3A, %dma_wait3A_117, %dma_wait3A_118] : memref<8x50x128xf32, #tpu.memory_space<vmem>> -> memref<1x50x64xf32, #tpu.memory_space<vmem>>
    %dma_wait3A_120 = tpu.memref_squeeze %dma_wait3A_119 : memref<1x50x64xf32, #tpu.memory_space<vmem>> -> memref<50x64xf32, #tpu.memory_space<vmem>>
    tpu.wait_dma2 semaphore(%arg15 : memref<!tpu.dma_semaphore, #tpu.memory_space<semaphore_mem>>) src(%dma_wait3A_120 : memref<50x64xf32, #tpu.memory_space<vmem>>) dst(%dma_wait3A_116 : memref<50x64xf32, #tpu.memory_space<hbm>>)
    %add3A_121 = arith.constant 121 : i32
    %add3A_122 = arith.addi %mul3A_2, %add3A_121 : i32
    %dma_wait3A_123 = arith.constant 1 : i32
    %dma_wait3A_124 = arith.constant 0 : i32
    %dma_wait3A_125 = arith.constant 0 : i32
    %dma_wait3A_126 = tpu.memref_slice %arg6[%dma_wait3A_123, %dma_wait3A_124, %dma_wait3A_125] : memref<8x50x128xf32, #tpu.memory_space<vmem>> -> memref<1x50x64xf32, #tpu.memory_space<vmem>>
    %dma_wait3A_127 = tpu.memref_squeeze %dma_wait3A_126 : memref<1x50x64xf32, #tpu.memory_space<vmem>> -> memref<50x64xf32, #tpu.memory_space<vmem>>
    %dma_wait3A_128 = arith.constant 0 : i32
    %dma_wait3A_129 = arith.constant 0 : i32
    %dma_wait3A_130 = tpu.memref_slice %arg4[%add3A_122, %dma_wait3A_128, %dma_wait3A_129] : memref<4096x50x64xf32, #tpu.memory_space<hbm>> -> memref<1x50x64xf32, #tpu.memory_space<hbm>>
    %dma_wait3A_131 = tpu.memref_squeeze %dma_wait3A_130 : memref<1x50x64xf32, #tpu.memory_space<hbm>> -> memref<50x64xf32, #tpu.memory_space<hbm>>
    %dma_wait3A_132 = arith.constant 0 : i32
    %dma_wait3A_133 = arith.constant 0 : i32
    %dma_wait3A_134 = tpu.memref_slice %arg4[%add3A_122, %dma_wait3A_132, %dma_wait3A_133] : memref<4096x50x64xf32, #tpu.memory_space<hbm>> -> memref<1x50x64xf32, #tpu.memory_space<hbm>>
    %dma_wait3A_135 = tpu.memref_squeeze %dma_wait3A_134 : memref<1x50x64xf32, #tpu.memory_space<hbm>> -> memref<50x64xf32, #tpu.memory_space<hbm>>
    %dma_wait3A_136 = arith.constant 0 : i32
    %dma_wait3A_137 = arith.constant 0 : i32
    %dma_wait3A_138 = tpu.memref_slice %arg6[%dma_wait3A_123, %dma_wait3A_136, %dma_wait3A_137] : memref<8x50x128xf32, #tpu.memory_space<vmem>> -> memref<1x50x64xf32, #tpu.memory_space<vmem>>
    %dma_wait3A_139 = tpu.memref_squeeze %dma_wait3A_138 : memref<1x50x64xf32, #tpu.memory_space<vmem>> -> memref<50x64xf32, #tpu.memory_space<vmem>>
    tpu.wait_dma2 semaphore(%arg16 : memref<!tpu.dma_semaphore, #tpu.memory_space<semaphore_mem>>) src(%dma_wait3A_139 : memref<50x64xf32, #tpu.memory_space<vmem>>) dst(%dma_wait3A_135 : memref<50x64xf32, #tpu.memory_space<hbm>>)
    %add3A_140 = arith.constant 122 : i32
    %add3A_141 = arith.addi %mul3A_2, %add3A_140 : i32
    %dma_wait3A_142 = arith.constant 2 : i32
    %dma_wait3A_143 = arith.constant 0 : i32
    %dma_wait3A_144 = arith.constant 0 : i32
    %dma_wait3A_145 = tpu.memref_slice %arg6[%dma_wait3A_142, %dma_wait3A_143, %dma_wait3A_144] : memref<8x50x128xf32, #tpu.memory_space<vmem>> -> memref<1x50x64xf32, #tpu.memory_space<vmem>>
    %dma_wait3A_146 = tpu.memref_squeeze %dma_wait3A_145 : memref<1x50x64xf32, #tpu.memory_space<vmem>> -> memref<50x64xf32, #tpu.memory_space<vmem>>
    %dma_wait3A_147 = arith.constant 0 : i32
    %dma_wait3A_148 = arith.constant 0 : i32
    %dma_wait3A_149 = tpu.memref_slice %arg4[%add3A_141, %dma_wait3A_147, %dma_wait3A_148] : memref<4096x50x64xf32, #tpu.memory_space<hbm>> -> memref<1x50x64xf32, #tpu.memory_space<hbm>>
    %dma_wait3A_150 = tpu.memref_squeeze %dma_wait3A_149 : memref<1x50x64xf32, #tpu.memory_space<hbm>> -> memref<50x64xf32, #tpu.memory_space<hbm>>
    %dma_wait3A_151 = arith.constant 0 : i32
    %dma_wait3A_152 = arith.constant 0 : i32
    %dma_wait3A_153 = tpu.memref_slice %arg4[%add3A_141, %dma_wait3A_151, %dma_wait3A_152] : memref<4096x50x64xf32, #tpu.memory_space<hbm>> -> memref<1x50x64xf32, #tpu.memory_space<hbm>>
    %dma_wait3A_154 = tpu.memref_squeeze %dma_wait3A_153 : memref<1x50x64xf32, #tpu.memory_space<hbm>> -> memref<50x64xf32, #tpu.memory_space<hbm>>
    %dma_wait3A_155 = arith.constant 0 : i32
    %dma_wait3A_156 = arith.constant 0 : i32
    %dma_wait3A_157 = tpu.memref_slice %arg6[%dma_wait3A_142, %dma_wait3A_155, %dma_wait3A_156] : memref<8x50x128xf32, #tpu.memory_space<vmem>> -> memref<1x50x64xf32, #tpu.memory_space<vmem>>
    %dma_wait3A_158 = tpu.memref_squeeze %dma_wait3A_157 : memref<1x50x64xf32, #tpu.memory_space<vmem>> -> memref<50x64xf32, #tpu.memory_space<vmem>>
    tpu.wait_dma2 semaphore(%arg17 : memref<!tpu.dma_semaphore, #tpu.memory_space<semaphore_mem>>) src(%dma_wait3A_158 : memref<50x64xf32, #tpu.memory_space<vmem>>) dst(%dma_wait3A_154 : memref<50x64xf32, #tpu.memory_space<hbm>>)
    %add3A_159 = arith.constant 123 : i32
    %add3A_160 = arith.addi %mul3A_2, %add3A_159 : i32
    %dma_wait3A_161 = arith.constant 3 : i32
    %dma_wait3A_162 = arith.constant 0 : i32
    %dma_wait3A_163 = arith.constant 0 : i32
    %dma_wait3A_164 = tpu.memref_slice %arg6[%dma_wait3A_161, %dma_wait3A_162, %dma_wait3A_163] : memref<8x50x128xf32, #tpu.memory_space<vmem>> -> memref<1x50x64xf32, #tpu.memory_space<vmem>>
    %dma_wait3A_165 = tpu.memref_squeeze %dma_wait3A_164 : memref<1x50x64xf32, #tpu.memory_space<vmem>> -> memref<50x64xf32, #tpu.memory_space<vmem>>
    %dma_wait3A_166 = arith.constant 0 : i32
    %dma_wait3A_167 = arith.constant 0 : i32
    %dma_wait3A_168 = tpu.memref_slice %arg4[%add3A_160, %dma_wait3A_166, %dma_wait3A_167] : memref<4096x50x64xf32, #tpu.memory_space<hbm>> -> memref<1x50x64xf32, #tpu.memory_space<hbm>>
    %dma_wait3A_169 = tpu.memref_squeeze %dma_wait3A_168 : memref<1x50x64xf32, #tpu.memory_space<hbm>> -> memref<50x64xf32, #tpu.memory_space<hbm>>
    %dma_wait3A_170 = arith.constant 0 : i32
    %dma_wait3A_171 = arith.constant 0 : i32
    %dma_wait3A_172 = tpu.memref_slice %arg4[%add3A_160, %dma_wait3A_170, %dma_wait3A_171] : memref<4096x50x64xf32, #tpu.memory_space<hbm>> -> memref<1x50x64xf32, #tpu.memory_space<hbm>>
    %dma_wait3A_173 = tpu.memref_squeeze %dma_wait3A_172 : memref<1x50x64xf32, #tpu.memory_space<hbm>> -> memref<50x64xf32, #tpu.memory_space<hbm>>
    %dma_wait3A_174 = arith.constant 0 : i32
    %dma_wait3A_175 = arith.constant 0 : i32
    %dma_wait3A_176 = tpu.memref_slice %arg6[%dma_wait3A_161, %dma_wait3A_174, %dma_wait3A_175] : memref<8x50x128xf32, #tpu.memory_space<vmem>> -> memref<1x50x64xf32, #tpu.memory_space<vmem>>
    %dma_wait3A_177 = tpu.memref_squeeze %dma_wait3A_176 : memref<1x50x64xf32, #tpu.memory_space<vmem>> -> memref<50x64xf32, #tpu.memory_space<vmem>>
    tpu.wait_dma2 semaphore(%arg18 : memref<!tpu.dma_semaphore, #tpu.memory_space<semaphore_mem>>) src(%dma_wait3A_177 : memref<50x64xf32, #tpu.memory_space<vmem>>) dst(%dma_wait3A_173 : memref<50x64xf32, #tpu.memory_space<hbm>>)
    %add3A_178 = arith.constant 124 : i32
    %add3A_179 = arith.addi %mul3A_2, %add3A_178 : i32
    %dma_wait3A_180 = arith.constant 4 : i32
    %dma_wait3A_181 = arith.constant 0 : i32
    %dma_wait3A_182 = arith.constant 0 : i32
    %dma_wait3A_183 = tpu.memref_slice %arg6[%dma_wait3A_180, %dma_wait3A_181, %dma_wait3A_182] : memref<8x50x128xf32, #tpu.memory_space<vmem>> -> memref<1x50x64xf32, #tpu.memory_space<vmem>>
    %dma_wait3A_184 = tpu.memref_squeeze %dma_wait3A_183 : memref<1x50x64xf32, #tpu.memory_space<vmem>> -> memref<50x64xf32, #tpu.memory_space<vmem>>
    %dma_wait3A_185 = arith.constant 0 : i32
    %dma_wait3A_186 = arith.constant 0 : i32
    %dma_wait3A_187 = tpu.memref_slice %arg4[%add3A_179, %dma_wait3A_185, %dma_wait3A_186] : memref<4096x50x64xf32, #tpu.memory_space<hbm>> -> memref<1x50x64xf32, #tpu.memory_space<hbm>>
    %dma_wait3A_188 = tpu.memref_squeeze %dma_wait3A_187 : memref<1x50x64xf32, #tpu.memory_space<hbm>> -> memref<50x64xf32, #tpu.memory_space<hbm>>
    %dma_wait3A_189 = arith.constant 0 : i32
    %dma_wait3A_190 = arith.constant 0 : i32
    %dma_wait3A_191 = tpu.memref_slice %arg4[%add3A_179, %dma_wait3A_189, %dma_wait3A_190] : memref<4096x50x64xf32, #tpu.memory_space<hbm>> -> memref<1x50x64xf32, #tpu.memory_space<hbm>>
    %dma_wait3A_192 = tpu.memref_squeeze %dma_wait3A_191 : memref<1x50x64xf32, #tpu.memory_space<hbm>> -> memref<50x64xf32, #tpu.memory_space<hbm>>
    %dma_wait3A_193 = arith.constant 0 : i32
    %dma_wait3A_194 = arith.constant 0 : i32
    %dma_wait3A_195 = tpu.memref_slice %arg6[%dma_wait3A_180, %dma_wait3A_193, %dma_wait3A_194] : memref<8x50x128xf32, #tpu.memory_space<vmem>> -> memref<1x50x64xf32, #tpu.memory_space<vmem>>
    %dma_wait3A_196 = tpu.memref_squeeze %dma_wait3A_195 : memref<1x50x64xf32, #tpu.memory_space<vmem>> -> memref<50x64xf32, #tpu.memory_space<vmem>>
    tpu.wait_dma2 semaphore(%arg19 : memref<!tpu.dma_semaphore, #tpu.memory_space<semaphore_mem>>) src(%dma_wait3A_196 : memref<50x64xf32, #tpu.memory_space<vmem>>) dst(%dma_wait3A_192 : memref<50x64xf32, #tpu.memory_space<hbm>>)
    %add3A_197 = arith.constant 125 : i32
    %add3A_198 = arith.addi %mul3A_2, %add3A_197 : i32
    %dma_wait3A_199 = arith.constant 5 : i32
    %dma_wait3A_200 = arith.constant 0 : i32
    %dma_wait3A_201 = arith.constant 0 : i32
    %dma_wait3A_202 = tpu.memref_slice %arg6[%dma_wait3A_199, %dma_wait3A_200, %dma_wait3A_201] : memref<8x50x128xf32, #tpu.memory_space<vmem>> -> memref<1x50x64xf32, #tpu.memory_space<vmem>>
    %dma_wait3A_203 = tpu.memref_squeeze %dma_wait3A_202 : memref<1x50x64xf32, #tpu.memory_space<vmem>> -> memref<50x64xf32, #tpu.memory_space<vmem>>
    %dma_wait3A_204 = arith.constant 0 : i32
    %dma_wait3A_205 = arith.constant 0 : i32
    %dma_wait3A_206 = tpu.memref_slice %arg4[%add3A_198, %dma_wait3A_204, %dma_wait3A_205] : memref<4096x50x64xf32, #tpu.memory_space<hbm>> -> memref<1x50x64xf32, #tpu.memory_space<hbm>>
    %dma_wait3A_207 = tpu.memref_squeeze %dma_wait3A_206 : memref<1x50x64xf32, #tpu.memory_space<hbm>> -> memref<50x64xf32, #tpu.memory_space<hbm>>
    %dma_wait3A_208 = arith.constant 0 : i32
    %dma_wait3A_209 = arith.constant 0 : i32
    %dma_wait3A_210 = tpu.memref_slice %arg4[%add3A_198, %dma_wait3A_208, %dma_wait3A_209] : memref<4096x50x64xf32, #tpu.memory_space<hbm>> -> memref<1x50x64xf32, #tpu.memory_space<hbm>>
    %dma_wait3A_211 = tpu.memref_squeeze %dma_wait3A_210 : memref<1x50x64xf32, #tpu.memory_space<hbm>> -> memref<50x64xf32, #tpu.memory_space<hbm>>
    %dma_wait3A_212 = arith.constant 0 : i32
    %dma_wait3A_213 = arith.constant 0 : i32
    %dma_wait3A_214 = tpu.memref_slice %arg6[%dma_wait3A_199, %dma_wait3A_212, %dma_wait3A_213] : memref<8x50x128xf32, #tpu.memory_space<vmem>> -> memref<1x50x64xf32, #tpu.memory_space<vmem>>
    %dma_wait3A_215 = tpu.memref_squeeze %dma_wait3A_214 : memref<1x50x64xf32, #tpu.memory_space<vmem>> -> memref<50x64xf32, #tpu.memory_space<vmem>>
    tpu.wait_dma2 semaphore(%arg20 : memref<!tpu.dma_semaphore, #tpu.memory_space<semaphore_mem>>) src(%dma_wait3A_215 : memref<50x64xf32, #tpu.memory_space<vmem>>) dst(%dma_wait3A_211 : memref<50x64xf32, #tpu.memory_space<hbm>>)
    %add3A_216 = arith.constant 126 : i32
    %add3A_217 = arith.addi %mul3A_2, %add3A_216 : i32
    %dma_wait3A_218 = arith.constant 6 : i32
    %dma_wait3A_219 = arith.constant 0 : i32
    %dma_wait3A_220 = arith.constant 0 : i32
    %dma_wait3A_221 = tpu.memref_slice %arg6[%dma_wait3A_218, %dma_wait3A_219, %dma_wait3A_220] : memref<8x50x128xf32, #tpu.memory_space<vmem>> -> memref<1x50x64xf32, #tpu.memory_space<vmem>>
    %dma_wait3A_222 = tpu.memref_squeeze %dma_wait3A_221 : memref<1x50x64xf32, #tpu.memory_space<vmem>> -> memref<50x64xf32, #tpu.memory_space<vmem>>
    %dma_wait3A_223 = arith.constant 0 : i32
    %dma_wait3A_224 = arith.constant 0 : i32
    %dma_wait3A_225 = tpu.memref_slice %arg4[%add3A_217, %dma_wait3A_223, %dma_wait3A_224] : memref<4096x50x64xf32, #tpu.memory_space<hbm>> -> memref<1x50x64xf32, #tpu.memory_space<hbm>>
    %dma_wait3A_226 = tpu.memref_squeeze %dma_wait3A_225 : memref<1x50x64xf32, #tpu.memory_space<hbm>> -> memref<50x64xf32, #tpu.memory_space<hbm>>
    %dma_wait3A_227 = arith.constant 0 : i32
    %dma_wait3A_228 = arith.constant 0 : i32
    %dma_wait3A_229 = tpu.memref_slice %arg4[%add3A_217, %dma_wait3A_227, %dma_wait3A_228] : memref<4096x50x64xf32, #tpu.memory_space<hbm>> -> memref<1x50x64xf32, #tpu.memory_space<hbm>>
    %dma_wait3A_230 = tpu.memref_squeeze %dma_wait3A_229 : memref<1x50x64xf32, #tpu.memory_space<hbm>> -> memref<50x64xf32, #tpu.memory_space<hbm>>
    %dma_wait3A_231 = arith.constant 0 : i32
    %dma_wait3A_232 = arith.constant 0 : i32
    %dma_wait3A_233 = tpu.memref_slice %arg6[%dma_wait3A_218, %dma_wait3A_231, %dma_wait3A_232] : memref<8x50x128xf32, #tpu.memory_space<vmem>> -> memref<1x50x64xf32, #tpu.memory_space<vmem>>
    %dma_wait3A_234 = tpu.memref_squeeze %dma_wait3A_233 : memref<1x50x64xf32, #tpu.memory_space<vmem>> -> memref<50x64xf32, #tpu.memory_space<vmem>>
    tpu.wait_dma2 semaphore(%arg21 : memref<!tpu.dma_semaphore, #tpu.memory_space<semaphore_mem>>) src(%dma_wait3A_234 : memref<50x64xf32, #tpu.memory_space<vmem>>) dst(%dma_wait3A_230 : memref<50x64xf32, #tpu.memory_space<hbm>>)
    %add3A_235 = arith.constant 127 : i32
    %add3A_236 = arith.addi %mul3A_2, %add3A_235 : i32
    %dma_wait3A_237 = arith.constant 7 : i32
    %dma_wait3A_238 = arith.constant 0 : i32
    %dma_wait3A_239 = arith.constant 0 : i32
    %dma_wait3A_240 = tpu.memref_slice %arg6[%dma_wait3A_237, %dma_wait3A_238, %dma_wait3A_239] : memref<8x50x128xf32, #tpu.memory_space<vmem>> -> memref<1x50x64xf32, #tpu.memory_space<vmem>>
    %dma_wait3A_241 = tpu.memref_squeeze %dma_wait3A_240 : memref<1x50x64xf32, #tpu.memory_space<vmem>> -> memref<50x64xf32, #tpu.memory_space<vmem>>
    %dma_wait3A_242 = arith.constant 0 : i32
    %dma_wait3A_243 = arith.constant 0 : i32
    %dma_wait3A_244 = tpu.memref_slice %arg4[%add3A_236, %dma_wait3A_242, %dma_wait3A_243] : memref<4096x50x64xf32, #tpu.memory_space<hbm>> -> memref<1x50x64xf32, #tpu.memory_space<hbm>>
    %dma_wait3A_245 = tpu.memref_squeeze %dma_wait3A_244 : memref<1x50x64xf32, #tpu.memory_space<hbm>> -> memref<50x64xf32, #tpu.memory_space<hbm>>
    %dma_wait3A_246 = arith.constant 0 : i32
    %dma_wait3A_247 = arith.constant 0 : i32
    %dma_wait3A_248 = tpu.memref_slice %arg4[%add3A_236, %dma_wait3A_246, %dma_wait3A_247] : memref<4096x50x64xf32, #tpu.memory_space<hbm>> -> memref<1x50x64xf32, #tpu.memory_space<hbm>>
    %dma_wait3A_249 = tpu.memref_squeeze %dma_wait3A_248 : memref<1x50x64xf32, #tpu.memory_space<hbm>> -> memref<50x64xf32, #tpu.memory_space<hbm>>
    %dma_wait3A_250 = arith.constant 0 : i32
    %dma_wait3A_251 = arith.constant 0 : i32
    %dma_wait3A_252 = tpu.memref_slice %arg6[%dma_wait3A_237, %dma_wait3A_250, %dma_wait3A_251] : memref<8x50x128xf32, #tpu.memory_space<vmem>> -> memref<1x50x64xf32, #tpu.memory_space<vmem>>
    %dma_wait3A_253 = tpu.memref_squeeze %dma_wait3A_252 : memref<1x50x64xf32, #tpu.memory_space<vmem>> -> memref<50x64xf32, #tpu.memory_space<vmem>>
    tpu.wait_dma2 semaphore(%arg22 : memref<!tpu.dma_semaphore, #tpu.memory_space<semaphore_mem>>) src(%dma_wait3A_253 : memref<50x64xf32, #tpu.memory_space<vmem>>) dst(%dma_wait3A_249 : memref<50x64xf32, #tpu.memory_space<hbm>>)
    return
  }
}

</mosaic_0001>

<sc_bundles>
// kernel: kernel.3.cloned.1.call-start
scs
__scs_entry_jumppad:
0x0: {  	(pc) =	sbr.rel $0x88, $3  }
0x1: {  	(tag) =	ssettag $0x0;
	lr =	simm.s32 $0x1  }
0x2: {  	[smem:$0x3F9F] =	sst lr;
	_ =	strace $0xD0000000  }
0x3: {  	_ = 	snop  }
0x4: {  	_ = 	snop  }
0x5: {  	_ = 	snop  }
0x6: {  	_ = 	snop  }
0x7: {  	_ = 	snop  }
__scs_overlays_trampoline_lowered:
0x8: {  	[smem:$0x3FAE] =	sst s0  }
0x9: {  	[smem:$0x3FAF] =	sst s1  }
0xa: {  	[smem:$0x3FB0] =	sst s2  }
0xb: {  	[smem:$0x3FB1] =	sst s3  }
0xc: {  	[smem:$0x3FB2] =	sst s4  }
0xd: {  	[smem:$0x3FB3] =	sst s5  }
0xe: {  	[smem:$0x3FB4] =	sst s6  }
0xf: {  	[smem:$0x3FB5] =	sst s7  }
0x10: {  	[smem:$0x3FB6] =	sst s8  }
0x11: {  	[smem:$0x3FB7] =	sst s9;
	s0 =	simm.s32 @!p0 $0x0  }
0x12: {  	s1 =	sld [smem:$0x3F9D];
	s0 =	simm.s32 @p0 $0x1  }
0x13: {  	[smem:$0x3FB8] =	sst s0;
	s0 =	simm.s32 @!p1 $0x0  }
0x14: {  	s2 =	sld [smem:$0x3F9C];
	s0 =	simm.s32 @p1 $0x1  }
0x15: {  	[smem:$0x3FB9] =	sst s0;
	s0 =	simm.s32 @!p2 $0x0  }
0x16: {  	s3 =	sld [smem:$0x3FDB];
	s0 =	simm.s32 @p2 $0x1  }
0x17: {  	s4 =	simm.s32 $0x1BF5;
	[smem:$0x3FBB] =	sst s0  }
0x18: {  	s0 =	sld [smem:$0x3F9E];
	_ =	swait.ge [sflag:s4], $0x0  }
0x19: {  	s7 =	sld [smem:$0x3F9F]  }
0x1a: {  	s8 =	sadd.s32 $0xFFFFE003, lr  }
0x1b: {  	s9 =	sadd.s32 $0xFFFFFEF7, lr;
	s5 =	simm.s32 $0xFFFFFFFF;
	p2 =	slt.u32 s8, $0xFFFFF086  }
0x1c: {  	p1 =	slt.u32 s9, $0xF7A;
	s5 =	simm.s32 @!p2 $0x0  }
0x1d: {  	s5 =	simm.s32 @p1 $0x1;
	p0 =	seq.s32 s7, s2  }
0x1e: {  	s7 =	smul.u32 @!p0 $0xF7A, s2;
	p2 =	seq.s32 @!p0 s5, $0x0  }
0x1f: {  	s9 =	smul.u32 $0xF7A, s1;
	s8 =	simm.s32 @!p0 $0x1BF5;
	p2 =	por !p2, p0  }
0x20: {  	[sflag:s8] =	ssyncset.s32 @!p0 $0xFFFFF086;
	s6 =	sadd.s32 @!p0 s3, s7;
	s7 =	simm.s32 @!p0 $0x108  }
0x21: {  	s3 =	sadd.s32 s3, s9;
	s6 =	sadd.s32 @!p0 $0x88, s6;
	s7 =	simm.s32 @p2 $0x1082  }
0x22: {  	[simem:s7], [sflag:s8] =	dma.local @!p0 [hbm:s6], $0xF7A  }
0x23: {  	s9 =	sor.u32 $0xD0000000, s2;
	s6 =	simm.s32 $0x108;
	_ =	swait.ge @!p0 [sflag:s8], $0x0  }
0x24: {  	s3 =	sadd.s32 $0x88, s3;
	s6 =	simm.s32 @!p1 $0x1082;
	[sflag:s4] =	ssyncset.s32 $0xFFFFF086  }
0x25: {  	[simem:s6], [sflag:s4] =	dma.local [hbm:s3], $0xF7A  }
0x26: {  	[smem:$0x3F9F] =	sst s1;
	(tag) =	ssettag s2;
	_ =	strace s9  }
0x27: {  	s1 =	sld [smem:$0x3FAF]  }
0x28: {  	s2 =	sld [smem:$0x3FB0]  }
0x29: {  	s4 =	sld [smem:$0x3FB2]  }
0x2a: {  	p0 =	seq.s32 s5, $0x0;
	s5 =	sld [smem:$0x3FB3]  }
0x2b: {  	s6 =	sld [smem:$0x3FB4]  }
0x2c: {  	s7 =	sld [smem:$0x3FB5]  }
0x2d: {  	s3 =	simm.s32 $0x108;
	s8 =	sld [smem:$0x3FB6]  }
0x2e: {  	s3 =	simm.s32 @!p0 $0x1082;
	s9 =	sld [smem:$0x3FB7]  }
0x2f: {  	lr =	sadd.s32 s0, s3;
	s0 =	sld [smem:$0x3FAE]  }
0x30: {  	s3 =	sld [smem:$0x3FB1]  }
0x31: {  	[smem:$0x3FBA] =	sst s10  }
0x32: {  	s10 =	sld [smem:$0x3FB8];
	_ =	sdelay $0x3  }
0x33: {  	p0 =	seq.s32 s10, $0x1;
	s10 =	sld [smem:$0x3FBA];
	_ =	sdelay $0x3  }
0x34: {  	[smem:$0x3FBA] =	sst s10  }
0x35: {  	s10 =	sld [smem:$0x3FB9];
	_ =	sdelay $0x3  }
0x36: {  	p1 =	seq.s32 s10, $0x1;
	s10 =	sld [smem:$0x3FBA];
	_ =	sdelay $0x3  }
0x37: {  	[smem:$0x3FBA] =	sst s10  }
0x38: {  	s10 =	sld [smem:$0x3FBB]  }
0x39: {  	_ = 	snop;
	(pc) =	sbr.ind lr, $3  }
0x3a: {  	_ = 	snop  }
0x3b: {  	_ = 	snop  }
0x3c: {  	p2 =	seq.s32 s10, $0x1;
	s10 =	sld [smem:$0x3FBA]  }
0x3d: {  	_ =	shalt  }
0x3e: {  	_ =	shalt  }
0x3f: {  	_ =	shalt  }
0x40: {  	_ =	shalt  }
0x41: {  	_ =	shalt  }
0x42: {  	_ =	shalt  }
0x43: {  	_ =	shalt  }
0x44: {  	_ =	shalt  }
0x45: {  	_ =	shalt  }
0x46: {  	_ =	shalt  }
0x47: {  	_ =	shalt  }
0x48: {  	_ =	shalt  }
0x49: {  	_ =	shalt  }
0x4a: {  	_ =	shalt  }
0x4b: {  	_ =	shalt  }
0x4c: {  	_ =	shalt  }
0x4d: {  	_ =	shalt  }
0x4e: {  	_ =	shalt  }
0x4f: {  	_ =	shalt  }
0x50: {  	_ =	shalt  }
0x51: {  	_ =	shalt  }
0x52: {  	_ =	shalt  }
0x53: {  	_ =	shalt  }
0x54: {  	_ =	shalt  }
0x55: {  	_ =	shalt  }
0x56: {  	_ =	shalt  }
0x57: {  	_ =	shalt  }
0x58: {  	_ =	shalt  }
0x59: {  	_ =	shalt  }
0x5a: {  	_ =	shalt  }
0x5b: {  	_ =	shalt  }
0x5c: {  	_ =	shalt  }
0x5d: {  	_ =	shalt  }
0x5e: {  	_ =	shalt  }
0x5f: {  	_ =	shalt  }
0x60: {  	_ =	shalt  }
0x61: {  	_ =	shalt  }
0x62: {  	_ =	shalt  }
0x63: {  	_ =	shalt  }
0x64: {  	_ =	shalt  }
0x65: {  	_ =	shalt  }
0x66: {  	_ =	shalt  }
0x67: {  	_ =	shalt  }
0x68: {  	_ =	shalt  }
0x69: {  	_ =	shalt  }
0x6a: {  	_ =	shalt  }
0x6b: {  	_ =	shalt  }
0x6c: {  	_ =	shalt  }
0x6d: {  	_ =	shalt  }
0x6e: {  	_ =	shalt  }
0x6f: {  	_ =	shalt  }
0x70: {  	_ =	shalt  }
0x71: {  	_ =	shalt  }
0x72: {  	_ =	shalt  }
0x73: {  	_ =	shalt  }
0x74: {  	_ =	shalt  }
0x75: {  	_ =	shalt  }
0x76: {  	_ =	shalt  }
0x77: {  	_ =	shalt  }
0x78: {  	_ =	shalt  }
0x79: {  	_ =	shalt  }
0x7a: {  	_ =	shalt  }
0x7b: {  	_ =	shalt  }
0x7c: {  	_ =	shalt  }
0x7d: {  	_ =	shalt  }
0x7e: {  	_ =	shalt  }
0x7f: {  	_ =	shalt  }
0x80: {  	_ =	shalt  }
0x81: {  	_ =	shalt  }
0x82: {  	_ =	shalt  }
0x83: {  	_ =	shalt  }
0x84: {  	_ =	shalt  }
0x85: {  	_ =	shalt  }
0x86: {  	_ =	shalt  }
0x87: {  	_ =	shalt  }
.Lfunc_end0:
.L_simem_size_0:
called_computation.1_lowered:
.L_overlay_start_0:
0x88: {  	s2 =	sld [smem:$0x3FD9]  }
0x89: {  	s3 =	sld [smem:$0x3FFE];
	_ =	sdelay $0x1  }
0x8a: {  	s1 =	srdreg.scid  }
0x8b: {  	s0 =	sand.u32 $0x1, s1  }
0x8c: {  	s17 =	sshll.u32 s0, $0xA;
	s2 =	sadd.s32 s3, s2  }
0x8d: {  	s2 =	sadd.s32 s2, s17  }
0x8e: {  	[smem:$0x3FC6] =	sst s2  }
0x8f: {  	_ = 	snop  }
0x90: {  	s2 =	sld [smem:$0x3FD0];
	(tm) =	ssettm $0x1  }
0x91: {  	s18 =	sld [smem:$0x3FFB];
	_ =	sdelay $0x3  }
0x92: {  	_ =	strace s18  }
0x93: {  	s3 =	sld [smem:$0x3FFC];
	_ =	sdelay $0x3  }
0x94: {  	_ =	strace s3  }
0x95: {  	s3 =	sld [smem:$0x3FFD];
	_ =	sdelay $0x3  }
0x96: {  	_ =	strace s3  }
0x97: {  	_ =	strace $0x8FFFFFFF  }
0x98: {  	s19 =	sld [smem:$0x3FDB];
	_ =	sdelay $0x1  }
0x99: {  	s4 =	simm.s32 $_scs_section_size  }
0x9a: {  	s5 =	simm.s32 $_size__tile_overlayer_lowered;
	s6 =	simm.s32 $_tile_overlayer_lowered  }
0x9b: {  	s22 =	simm.s32 $0x1BFF;
	s21 =	sshll.u32 s6, $0x1;
	s3 =	sadd.s32 s4, s19  }
0x9c: {  	s7 =	simm.s32 $0x0;
	s20 =	sshll.u32 s5, $0x1;
	s5 =	sadd.s32 s21, s3  }
0x9d: {  	[timem:s7], [sflag:s22] =	dma.local [hbm:s5], s20  }
0x9e: {  	_ =	swait.ge [sflag:s22], s20  }
0x9f: {  	s4 =	ssub.s32 $0x0, s20;
	[sflag:s22] =	ssyncset.done $0x0  }
0xa0: {  	[sflag:s22] =	ssyncadd.s32 s4;
	_ =	sdelay $0x1  }
0xa1: {  	s23 =	simm.s32 $0x1B8B  }
0xa2: {  	_ =	swait.ge [sflag:s23], $0x1  }
0xa3: {  	[sflag:s23] =	ssyncset.done $0x0  }
0xa4: {  	s25 =	simm.s32 $0x1B8E;
	s24 =	sld [smem:$0x3FFE];
	[sflag:s23] =	ssyncadd.s32 $0xFFFFFFFF  }
0xa5: {  	s26 =	simm.s32 $execute0_lowered;
	[smem:$0x3FD2] =	sst s25  }
0xa6: {  	s5 =	sshll.u32 s26, $0x1;
	_ =	strace $0x80000046;
	[dreg:$0x1] =	wrdreg $0xFFFFFFFF  }
0xa7: {  	s28 =	simm.s32 $_size_execute0_lowered;
	s3 =	sadd.s32 s3, s5;
	[dreg:$0x0] =	wrdreg $0x0  }
0xa8: {  	s5 =	sshll.u32 s28, $0x1;
	[dreg:$0x2] =	wrdreg s3  }
0xa9: {  	[dreg:$0x3] =	wrdreg s5  }
0xaa: {  	[dreg:$0x4] =	wrdreg $0xC0  }
0xab: {  	_ =	task [dreg:s7], $0x5FFFF  }
0xac: {  	[dreg:$0x1] =	wrdreg $0xFFFFFFFF  }
0xad: {  	[dreg:$0x0] =	wrdreg $0x60  }
0xae: {  	[dreg:$0x2] =	wrdreg s24  }
0xaf: {  	[dreg:$0x3] =	wrdreg s2  }
0xb0: {  	[dreg:$0x4] =	wrdreg $0x9  }
0xb1: {  	_ =	task.clear_ibuf [dreg:s7], $0x5FFFF;
	_ =	strace $0x90000046  }
0xb2: {  	s29 =	simm.s32 $0x9;
	_ =	strace $0x80000048  }
0xb3: {  	_ =	swait.ge [sflag:s29], $0x1  }
0xb4: {  	[sflag:s29] =	ssyncadd.s32 $0xFFFFFFFF  }
0xb5: {  	_ =	strace $0x90000048  }
0xb6: {  	_ =	sfence  }
0xb7: {  	s30 =	sld [smem:$0x0];
	_ =	sdelay $0x2  }
0xb8: {  	s31 =	sshll.u32 s1, $0xD;
	s1 =	sshrl.u32 s1, $0x2  }
0xb9: {  	s3 =	sand.u32 $0x4000, s31;
	s1 =	sadd.s32 s1, s30  }
0xba: {  	s0 =	sor.u32 s3, s0;
	s1 =	sshll.u32 s1, $0x11  }
0xbb: {  	s0 =	sor.u32 s1, s0  }
0xbc: {  	s0 =	sadd.s32 $0x8F2B, s0  }
0xbd: {  	[sflag:s0] =	ssyncadd.remote.s32 $0x1  }
0xbe: {  	_ =	sfence.sel $0xFFFF  }
0xbf: {  	[dreg:$0x0] =	wrdreg $0xFFFFFFFF;
	(pc) =	sbr.abs _section_cstart, $3  }
0xc0: {  	[dreg:$0x1] =	wrdreg $0xFFFFFFFF  }
0xc1: {  	_ =	task.clear_ibuf [dreg:s7], $0x2FFFF;
	_ =	strace $0x9FFFFFFF  }
0xc2: {  	(tm) =	ssettm $0x7FFFFFFF  }
0xc3: {  	_ =	shalt  }
tec
execute0_lowered:
.L_overlay_start_1:
0x0: {  	(tag) =	ssettag $0x1  }
0x1: {  	s0 =	srdreg.scid;
	s1 =	rddreg [dreg:$0x0]  }
0x2: {  	s3 =	stileid.u32;
	s2 =	rddreg [dreg:$0x1];
	s9 =	simm.s32 $0x32  }
0x3: {  	s24 =	simm.s32 $0xCB00;
	s25 =	simm.s32 $0x1;
	s26 =	simm.s32 $0x2  }
0x4: {  	s28 =	simm.s32 $0x3;
	s29 =	simm.s32 $0x4;
	s30 =	simm.s32 $0x5  }
0x5: {  	s31 =	simm.s32 $0x6;
	s10 =	simm.s32 $0x9;
	s11 =	simm.s32 $0xA  }
0x6: {  	s12 =	simm.s32 $0xB;
	s13 =	simm.s32 $0xC;
	s0 =	sand.u32 $0x1, s0  }
0x7: {  	s14 =	simm.s32 $0xD;
	s4 =	sshll.u32 s3, $0x8;
	s5 =	sshll.u32 s0, $0x7  }
0x8: {  	s15 =	simm.s32 $0xE;
	s16 =	simm.s32 $0xF;
	s4 =	sor.u32 s5, s4  }
0x9: {  	s17 =	simm.s32 $0x10;
	s0 =	ssub.s32 $0x2, s0;
	s6 =	smul.u32 $0x7, s4  }
.Ltmp0:
0xa: {  	s3 =	simm.s32 $0x0;
	s7 =	sshrl.u32 s0, $0x1;
	(pc) =	sbr.rel .LBB2_1-.Ltmp0, $4  }
0xb: {  	s18 =	simm.s32 $0x0;
	[smem:$0x7FF] =	sst s3;
	s0 =	ssub.s32 s0, s7  }
0xc: {  	s5 =	sadd.s32 $0xF49E00, s1;
	s0 =	smax.u32 s0, $0x1;
	s1 =	sadd.s32 s6, s1  }
0xd: {  	_ =	strace $0x80000047;
	[dreg:$0x4] =	wrdreg s0;
	s1 =	sadd.s32 $0xF42E00, s1  }
0xe: {  	s0 =	simm.s32 $0x8;
	[dreg:$0x3] =	wrdreg s1;
	s1 =	simm.s32 $0x7  }
.LBB2_20:
0xf: {  	_ =	swait.ge [sflag:s10], $0xC80  }
0x10: {  	[sflag:s10] =	ssyncset.done $0x0  }
0x11: {  	[sflag:s10] =	ssyncadd.s32 $0xFFFFF380  }
0x12: {  	_ =	swait.ge [sflag:s11], $0xC80  }
0x13: {  	[sflag:s11] =	ssyncset.done $0x0  }
0x14: {  	[sflag:s11] =	ssyncadd.s32 $0xFFFFF380  }
0x15: {  	_ =	swait.ge [sflag:s12], $0xC80  }
0x16: {  	[sflag:s12] =	ssyncset.done $0x0  }
0x17: {  	[sflag:s12] =	ssyncadd.s32 $0xFFFFF380  }
0x18: {  	_ =	swait.ge [sflag:s13], $0xC80  }
0x19: {  	[sflag:s13] =	ssyncset.done $0x0  }
0x1a: {  	[sflag:s13] =	ssyncadd.s32 $0xFFFFF380  }
0x1b: {  	_ =	swait.ge [sflag:s14], $0xC80  }
0x1c: {  	[sflag:s14] =	ssyncset.done $0x0  }
0x1d: {  	[sflag:s14] =	ssyncadd.s32 $0xFFFFF380  }
0x1e: {  	_ =	swait.ge [sflag:s15], $0xC80  }
0x1f: {  	[sflag:s15] =	ssyncset.done $0x0  }
0x20: {  	[sflag:s15] =	ssyncadd.s32 $0xFFFFF380  }
0x21: {  	_ =	swait.ge [sflag:s16], $0xC80  }
0x22: {  	[sflag:s16] =	ssyncset.done $0x0  }
0x23: {  	[sflag:s16] =	ssyncadd.s32 $0xFFFFF380  }
0x24: {  	_ =	swait.ge [sflag:s17], $0xC80  }
0x25: {  	s18 =	sadd.s32 $0x1, s18;
	s6 =	rddreg [dreg:$0x4]  }
0x26: {  	p0 =	sne.s32 s18, s6  }
.Ltmp1:
0x27: {  	_ = 	snop;
	(pc) =	sbr.rel @!p0 .LBB2_21-.Ltmp1, $3  }
0x28: {  	_ =	sdelay $0x1  }
0x29: {  	[sflag:s17] =	ssyncset.done $0x0  }
0x2a: {  	[sflag:s17] =	ssyncadd.s32 $0xFFFFF380  }
.LBB2_1:
0x2b: {  	s6 =	rddreg [dreg:$0x3];
	s7 =	simm.s32 $0x11  }
0x2c: {  	[tilespmem:s3], [sflag:$0x11] =	stream.linear.gather [hbm4b:s6+s3], $0x1C00, $0x38;
	[tilespmem:$0xE400] =	vst v63  }
0x2d: {  	_ =	swait.ge [sflag:s7], $0x1C00  }
0x2e: {  	[sflag:s7] =	ssyncset.done $0x0  }
0x2f: {  	s8 =	simm.s32 $0x1C00;
	[sflag:s7] =	ssyncadd.s32 $0xFFFFE400  }
0x30: {  	[tilespmem:s8], [sflag:$0x1] =	stream.indirect.gather [hbm4b:s5+s9], $0x80, s3, s9, $0xb8;
	[tilespmem:$0xE400] =	vst v63  }
0x31: {  	s19 =	simm.s32 $0x38;
	s7 =	simm.s32 $0x3500  }
0x32: {  	[tilespmem:s7], [sflag:$0x2] =	stream.indirect.gather [hbm4b:s5+s9], $0x80, s19, s9, $0xb8;
	[tilespmem:$0xE400] =	vst v63  }
0x33: {  	s20 =	simm.s32 $0x70;
	s21 =	simm.s32 $0x4E00  }
0x34: {  	[tilespmem:s21], [sflag:$0x3] =	stream.indirect.gather [hbm4b:s5+s9], $0x80, s20, s9, $0xb8;
	[tilespmem:$0xE400] =	vst v63  }
0x35: {  	s22 =	simm.s32 $0xA8;
	s23 =	simm.s32 $0x6700  }
0x36: {  	[tilespmem:s23], [sflag:$0x4] =	stream.indirect.gather [hbm4b:s5+s9], $0x80, s22, s9, $0xb8;
	[tilespmem:$0xE400] =	vst v63  }
0x37: {  	s8 =	simm.s32 $0x8000;
	s7 =	simm.s32 $0xE0  }
0x38: {  	[tilespmem:s8], [sflag:$0x5] =	stream.indirect.gather [hbm4b:s5+s9], $0x80, s7, s9, $0xb8;
	[tilespmem:$0xE400] =	vst v63  }
0x39: {  	s19 =	simm.s32 $0x118;
	s20 =	simm.s32 $0x9900  }
0x3a: {  	[tilespmem:s20], [sflag:$0x6] =	stream.indirect.gather [hbm4b:s5+s9], $0x80, s19, s9, $0xb8;
	[tilespmem:$0xE400] =	vst v63  }
0x3b: {  	s21 =	simm.s32 $0x150;
	s22 =	simm.s32 $0xB200  }
0x3c: {  	[tilespmem:s22], [sflag:$0x7] =	stream.indirect.gather [hbm4b:s5+s9], $0x80, s21, s9, $0xb8;
	[tilespmem:$0xE400] =	vst v63  }
0x3d: {  	s23 =	simm.s32 $0x188;
	s19 =	simm.s32 $0x0  }
0x3e: {  	[tilespmem:s24], [sflag:$0x8] =	stream.indirect.gather [hbm4b:s5+s9], $0x80, s23, s9, $0xb8;
	[tilespmem:$0xE400] =	vst v63  }
.LBB2_2:
0x3f: {  	s21 =	sshll.u32 s19, $0x3  }
0x40: {  	s6 =	sadd.s32 s4, s21  }
0x41: {  	s6 =	smul.u32 $0x190, s6  }
0x42: {  	_ =	swait.ge [sflag:s25], $0x1900;
	s22 =	simm.s32 $0x1C00  }
0x43: {  	s23 =	simm.s32 $0x8;
	[sflag:s25] =	ssyncset.done $0x0;
	s20 =	sadd.s32 s2, s6  }
0x44: {  	[sflag:s25] =	ssyncadd.s32 $0xFFFFE700;
	s6 =	simm.s32 $0x1C80;
	s7 =	sadd.s32 $0x0, s20  }
.LBB2_3:
0x45: {  	[hbm4b:s7+s3] =	stream.linear.scatter [tilespmem:s22], [sflag:$0x9], $0x40, $0x38;
	[tilespmem:$0xE400] =	vst v63  }
0x46: {  	s7 =	smov.u32 s23;
	s22 =	smov.u32 s6;
	p0 =	sne.s32 s23, $0x188  }
.Ltmp2:
0x47: {  	s23 =	sadd.s32 $0x8, s23;
	(pc) =	sbr.rel @p0 .LBB2_3-.Ltmp2, $2  }
0x48: {  	_ =	sdelay $0x2  }
0x49: {  	s6 =	sadd.s32 $0x80, s6;
	s7 =	sadd.s32 s7, s20  }
0x4a: {  	[hbm4b:s7+s3] =	stream.linear.scatter [tilespmem:s22], [sflag:$0x9], $0x40, $0x38;
	[tilespmem:$0xE400] =	vst v63  }
0x4b: {  	p0 =	seq.s32 s19, $0xF  }
0x4c: {  	s6 =	simm.s32 @!p0 $0x9;
	s7 =	smul.u32 @!p0 $0x700, s19  }
0x4d: {  	s23 =	sadd.s32 s21, s4;
	_ =	swait.ge @!p0 [sflag:s6], $0xC80  }
0x4e: {  	s8 =	simm.s32 @!p0 $0x1C00;
	[sflag:s6] =	ssyncset.done @!p0 $0x0;
	s20 =	sshra.s32 @!p0 s7, $0x2  }
0x4f: {  	s7 =	simm.s32 @!p0 $0x32;
	[sflag:s6] =	ssyncadd.s32 @!p0 $0xFFFFF380;
	s6 =	sadd.s32 @!p0 $0x1C0, s20  }
0x50: {  	[tilespmem:s8], [sflag:$0x1] =	stream.indirect.gather @!p0 [hbm4b:s5+s7], $0x80, s6, s7, $0xb8;
	[tilespmem:$0xE400] =	vst v63  }
0x51: {  	s6 =	smul.u32 $0x190, s23;
	_ =	sdelay $0x1  }
0x52: {  	s23 =	simm.s32 $0x3500;
	_ =	swait.ge [sflag:s26], $0x1900;
	s21 =	sadd.s32 s2, s6  }
0x53: {  	s7 =	simm.s32 $0x3580;
	[sflag:s26] =	ssyncset.done $0x0;
	s22 =	sadd.s32 $0x190, s21  }
0x54: {  	s6 =	simm.s32 $0x8;
	[sflag:s26] =	ssyncadd.s32 $0xFFFFE700;
	s8 =	sadd.s32 $0x0, s22  }
.LBB2_5:
0x55: {  	[hbm4b:s8+s3] =	stream.linear.scatter [tilespmem:s23], [sflag:$0xA], $0x40, $0x38;
	[tilespmem:$0xE400] =	vst v63  }
0x56: {  	s8 =	smov.u32 s6;
	s23 =	smov.u32 s7;
	p1 =	sne.s32 s6, $0x188  }
.Ltmp3:
0x57: {  	s6 =	sadd.s32 $0x8, s6;
	(pc) =	sbr.rel @p1 .LBB2_5-.Ltmp3, $2  }
0x58: {  	_ =	sdelay $0x2  }
0x59: {  	s7 =	sadd.s32 $0x80, s7;
	s8 =	sadd.s32 s8, s22  }
0x5a: {  	[hbm4b:s8+s3] =	stream.linear.scatter [tilespmem:s23], [sflag:$0xA], $0x40, $0x38;
	[tilespmem:$0xE400] =	vst v63  }
0x5b: {  	s6 =	simm.s32 @!p0 $0xA  }
0x5c: {  	_ =	swait.ge @!p0 [sflag:s6], $0xC80  }
0x5d: {  	s7 =	simm.s32 @!p0 $0x32;
	[sflag:s6] =	ssyncset.done @!p0 $0x0  }
0x5e: {  	s8 =	simm.s32 @!p0 $0x3500;
	[sflag:s6] =	ssyncadd.s32 @!p0 $0xFFFFF380;
	s6 =	sadd.s32 @!p0 $0x1F8, s20  }
0x5f: {  	[tilespmem:s8], [sflag:$0x2] =	stream.indirect.gather @!p0 [hbm4b:s5+s7], $0x80, s6, s7, $0xb8;
	[tilespmem:$0xE400] =	vst v63  }
0x60: {  	s22 =	sadd.s32 $0x320, s21;
	_ =	swait.ge [sflag:s28], $0x1900  }
0x61: {  	s23 =	simm.s32 $0x4E00;
	s6 =	simm.s32 $0x8;
	[sflag:s28] =	ssyncset.done $0x0  }
0x62: {  	s8 =	sadd.s32 $0x0, s22;
	s7 =	simm.s32 $0x4E80;
	[sflag:s28] =	ssyncadd.s32 $0xFFFFE700  }
.LBB2_7:
0x63: {  	[hbm4b:s8+s3] =	stream.linear.scatter [tilespmem:s23], [sflag:$0xB], $0x40, $0x38;
	[tilespmem:$0xE400] =	vst v63  }
0x64: {  	s8 =	smov.u32 s6;
	s23 =	smov.u32 s7;
	p1 =	sne.s32 s6, $0x188  }
.Ltmp4:
0x65: {  	s6 =	sadd.s32 $0x8, s6;
	(pc) =	sbr.rel @p1 .LBB2_7-.Ltmp4, $2  }
0x66: {  	_ =	sdelay $0x2  }
0x67: {  	s7 =	sadd.s32 $0x80, s7;
	s8 =	sadd.s32 s8, s22  }
0x68: {  	[hbm4b:s8+s3] =	stream.linear.scatter [tilespmem:s23], [sflag:$0xB], $0x40, $0x38;
	[tilespmem:$0xE400] =	vst v63  }
0x69: {  	s6 =	simm.s32 @!p0 $0xB  }
0x6a: {  	_ =	swait.ge @!p0 [sflag:s6], $0xC80  }
0x6b: {  	s7 =	simm.s32 @!p0 $0x32;
	[sflag:s6] =	ssyncset.done @!p0 $0x0  }
0x6c: {  	s8 =	simm.s32 @!p0 $0x4E00;
	[sflag:s6] =	ssyncadd.s32 @!p0 $0xFFFFF380;
	s6 =	sadd.s32 @!p0 $0x230, s20  }
0x6d: {  	[tilespmem:s8], [sflag:$0x3] =	stream.indirect.gather @!p0 [hbm4b:s5+s7], $0x80, s6, s7, $0xb8;
	[tilespmem:$0xE400] =	vst v63  }
0x6e: {  	s22 =	sadd.s32 $0x4B0, s21;
	_ =	swait.ge [sflag:s29], $0x1900  }
0x6f: {  	s23 =	simm.s32 $0x6700;
	s6 =	simm.s32 $0x8;
	[sflag:s29] =	ssyncset.done $0x0  }
0x70: {  	s8 =	sadd.s32 $0x0, s22;
	s7 =	simm.s32 $0x6780;
	[sflag:s29] =	ssyncadd.s32 $0xFFFFE700  }
.LBB2_9:
0x71: {  	[hbm4b:s8+s3] =	stream.linear.scatter [tilespmem:s23], [sflag:$0xC], $0x40, $0x38;
	[tilespmem:$0xE400] =	vst v63  }
0x72: {  	s8 =	smov.u32 s6;
	s23 =	smov.u32 s7;
	p1 =	sne.s32 s6, $0x188  }
.Ltmp5:
0x73: {  	s6 =	sadd.s32 $0x8, s6;
	(pc) =	sbr.rel @p1 .LBB2_9-.Ltmp5, $2  }
0x74: {  	_ =	sdelay $0x2  }
0x75: {  	s7 =	sadd.s32 $0x80, s7;
	s8 =	sadd.s32 s8, s22  }
0x76: {  	[hbm4b:s8+s3] =	stream.linear.scatter [tilespmem:s23], [sflag:$0xC], $0x40, $0x38;
	[tilespmem:$0xE400] =	vst v63  }
0x77: {  	s6 =	simm.s32 @!p0 $0xC  }
0x78: {  	_ =	swait.ge @!p0 [sflag:s6], $0xC80  }
0x79: {  	s7 =	simm.s32 @!p0 $0x32;
	[sflag:s6] =	ssyncset.done @!p0 $0x0  }
0x7a: {  	s8 =	simm.s32 @!p0 $0x6700;
	[sflag:s6] =	ssyncadd.s32 @!p0 $0xFFFFF380;
	s6 =	sadd.s32 @!p0 $0x268, s20  }
0x7b: {  	[tilespmem:s8], [sflag:$0x4] =	stream.indirect.gather @!p0 [hbm4b:s5+s7], $0x80, s6, s7, $0xb8;
	[tilespmem:$0xE400] =	vst v63  }
0x7c: {  	s22 =	sadd.s32 $0x640, s21;
	_ =	swait.ge [sflag:s30], $0x1900  }
0x7d: {  	s23 =	simm.s32 $0x8000;
	s6 =	simm.s32 $0x8;
	[sflag:s30] =	ssyncset.done $0x0  }
0x7e: {  	s8 =	sadd.s32 $0x0, s22;
	s7 =	simm.s32 $0x8080;
	[sflag:s30] =	ssyncadd.s32 $0xFFFFE700  }
.LBB2_11:
0x7f: {  	[hbm4b:s8+s3] =	stream.linear.scatter [tilespmem:s23], [sflag:$0xD], $0x40, $0x38;
	[tilespmem:$0xE400] =	vst v63  }
0x80: {  	s8 =	smov.u32 s6;
	s23 =	smov.u32 s7;
	p1 =	sne.s32 s6, $0x188  }
.Ltmp6:
0x81: {  	s6 =	sadd.s32 $0x8, s6;
	(pc) =	sbr.rel @p1 .LBB2_11-.Ltmp6, $2  }
0x82: {  	_ =	sdelay $0x2  }
0x83: {  	s7 =	sadd.s32 $0x80, s7;
	s8 =	sadd.s32 s8, s22  }
0x84: {  	[hbm4b:s8+s3] =	stream.linear.scatter [tilespmem:s23], [sflag:$0xD], $0x40, $0x38;
	[tilespmem:$0xE400] =	vst v63  }
0x85: {  	s6 =	simm.s32 @!p0 $0xD  }
0x86: {  	_ =	swait.ge @!p0 [sflag:s6], $0xC80  }
0x87: {  	s7 =	simm.s32 @!p0 $0x32;
	[sflag:s6] =	ssyncset.done @!p0 $0x0  }
0x88: {  	s8 =	simm.s32 @!p0 $0x8000;
	[sflag:s6] =	ssyncadd.s32 @!p0 $0xFFFFF380;
	s6 =	sadd.s32 @!p0 $0x2A0, s20  }
0x89: {  	[tilespmem:s8], [sflag:$0x5] =	stream.indirect.gather @!p0 [hbm4b:s5+s7], $0x80, s6, s7, $0xb8;
	[tilespmem:$0xE400] =	vst v63  }
0x8a: {  	s22 =	sadd.s32 $0x7D0, s21;
	_ =	swait.ge [sflag:s31], $0x1900  }
0x8b: {  	s23 =	simm.s32 $0x9900;
	s6 =	simm.s32 $0x8;
	[sflag:s31] =	ssyncset.done $0x0  }
0x8c: {  	s8 =	sadd.s32 $0x0, s22;
	s7 =	simm.s32 $0x9980;
	[sflag:s31] =	ssyncadd.s32 $0xFFFFE700  }
.LBB2_13:
0x8d: {  	[hbm4b:s8+s3] =	stream.linear.scatter [tilespmem:s23], [sflag:$0xE], $0x40, $0x38;
	[tilespmem:$0xE400] =	vst v63  }
0x8e: {  	s8 =	smov.u32 s6;
	s23 =	smov.u32 s7;
	p1 =	sne.s32 s6, $0x188  }
.Ltmp7:
0x8f: {  	s6 =	sadd.s32 $0x8, s6;
	(pc) =	sbr.rel @p1 .LBB2_13-.Ltmp7, $2  }
0x90: {  	_ =	sdelay $0x2  }
0x91: {  	s7 =	sadd.s32 $0x80, s7;
	s8 =	sadd.s32 s8, s22  }
0x92: {  	[hbm4b:s8+s3] =	stream.linear.scatter [tilespmem:s23], [sflag:$0xE], $0x40, $0x38;
	[tilespmem:$0xE400] =	vst v63  }
0x93: {  	s6 =	simm.s32 @!p0 $0xE  }
0x94: {  	_ =	swait.ge @!p0 [sflag:s6], $0xC80  }
0x95: {  	s7 =	simm.s32 @!p0 $0x32;
	[sflag:s6] =	ssyncset.done @!p0 $0x0  }
0x96: {  	s8 =	simm.s32 @!p0 $0x9900;
	[sflag:s6] =	ssyncadd.s32 @!p0 $0xFFFFF380;
	s6 =	sadd.s32 @!p0 $0x2D8, s20  }
0x97: {  	[tilespmem:s8], [sflag:$0x6] =	stream.indirect.gather @!p0 [hbm4b:s5+s7], $0x80, s6, s7, $0xb8;
	[tilespmem:$0xE400] =	vst v63  }
0x98: {  	s22 =	sadd.s32 $0x960, s21;
	_ =	swait.ge [sflag:s1], $0x1900  }
0x99: {  	s23 =	simm.s32 $0xB200;
	s6 =	simm.s32 $0x8;
	[sflag:s1] =	ssyncset.done $0x0  }
0x9a: {  	s8 =	sadd.s32 $0x0, s22;
	s7 =	simm.s32 $0xB280;
	[sflag:s1] =	ssyncadd.s32 $0xFFFFE700  }
.LBB2_15:
0x9b: {  	[hbm4b:s8+s3] =	stream.linear.scatter [tilespmem:s23], [sflag:$0xF], $0x40, $0x38;
	[tilespmem:$0xE400] =	vst v63  }
0x9c: {  	s8 =	smov.u32 s6;
	s23 =	smov.u32 s7;
	p1 =	sne.s32 s6, $0x188  }
.Ltmp8:
0x9d: {  	s6 =	sadd.s32 $0x8, s6;
	(pc) =	sbr.rel @p1 .LBB2_15-.Ltmp8, $2  }
0x9e: {  	_ =	sdelay $0x2  }
0x9f: {  	s7 =	sadd.s32 $0x80, s7;
	s8 =	sadd.s32 s8, s22  }
0xa0: {  	[hbm4b:s8+s3] =	stream.linear.scatter [tilespmem:s23], [sflag:$0xF], $0x40, $0x38;
	[tilespmem:$0xE400] =	vst v63  }
0xa1: {  	s6 =	simm.s32 @!p0 $0xF  }
0xa2: {  	_ =	swait.ge @!p0 [sflag:s6], $0xC80  }
0xa3: {  	s7 =	simm.s32 @!p0 $0x32;
	[sflag:s6] =	ssyncset.done @!p0 $0x0  }
0xa4: {  	s8 =	simm.s32 @!p0 $0xB200;
	[sflag:s6] =	ssyncadd.s32 @!p0 $0xFFFFF380;
	s6 =	sadd.s32 @!p0 $0x310, s20  }
0xa5: {  	[tilespmem:s8], [sflag:$0x7] =	stream.indirect.gather @!p0 [hbm4b:s5+s7], $0x80, s6, s7, $0xb8;
	[tilespmem:$0xE400] =	vst v63  }
0xa6: {  	s20 =	sadd.s32 $0xAF0, s21;
	_ =	swait.ge [sflag:s0], $0x1900  }
0xa7: {  	s21 =	simm.s32 $0xCB00;
	s6 =	simm.s32 $0x8;
	[sflag:s0] =	ssyncset.done $0x0  }
0xa8: {  	s8 =	sadd.s32 $0x0, s20;
	s7 =	simm.s32 $0xCB80;
	[sflag:s0] =	ssyncadd.s32 $0xFFFFE700  }
.LBB2_17:
0xa9: {  	[hbm4b:s8+s3] =	stream.linear.scatter [tilespmem:s21], [sflag:$0x10], $0x40, $0x38;
	[tilespmem:$0xE400] =	vst v63  }
0xaa: {  	s8 =	smov.u32 s6;
	s21 =	smov.u32 s7;
	p1 =	sne.s32 s6, $0x188  }
.Ltmp9:
0xab: {  	s6 =	sadd.s32 $0x8, s6;
	(pc) =	sbr.rel @p1 .LBB2_17-.Ltmp9, $2  }
0xac: {  	_ =	sdelay $0x2  }
0xad: {  	s7 =	sadd.s32 $0x80, s7;
	s8 =	sadd.s32 s8, s20  }
.Ltmp10:
0xae: {  	(pc) =	sbr.rel @p0 .LBB2_20-.Ltmp10, $2  }
0xaf: {  	_ =	sdelay $0x2  }
0xb0: {  	[hbm4b:s8+s3] =	stream.linear.scatter [tilespmem:s21], [sflag:$0x10], $0x40, $0x38;
	[tilespmem:$0xE400] =	vst v63  }
0xb1: {  	s6 =	smul.u32 $0x700, s19  }
.Ltmp11:
0xb2: {  	_ = 	snop;
	(pc) =	sbr.rel .LBB2_2-.Ltmp11, $4  }
0xb3: {  	_ =	swait.ge [sflag:s17], $0xC80  }
0xb4: {  	[sflag:s17] =	ssyncset.done $0x0;
	s6 =	sshra.s32 s6, $0x2  }
0xb5: {  	s19 =	sadd.s32 $0x1, s19;
	[sflag:s17] =	ssyncadd.s32 $0xFFFFF380;
	s6 =	sadd.s32 $0x348, s6  }
0xb6: {  	[tilespmem:s24], [sflag:$0x8] =	stream.indirect.gather [hbm4b:s5+s9], $0x80, s6, s9, $0xb8;
	[tilespmem:$0xE400] =	vst v63  }
.LBB2_21:
0xb7: {  	_ =	sfence.sel $0x180000  }
0xb8: {  	[bflag:$0x0] =	sbarrier.arrive $0xFFFF  }
0xb9: {  	_ =	strace $0x90000047  }
0xba: {  	s0 =	stileid.u32;
	[bflag:$0x2] =	sbarrier.arrive $0xFFFF  }
0xbb: {  	p0 =	sne.s32 s0, $0x0;
	s0 =	rddreg [dreg:$0x2]  }
0xbc: {  	s0 =	sadd.s32 @!p0 $0x100000, s0  }
0xbd: {  	[sflag:s0] =	ssyncadd.tile.s32 @!p0 $0x1;
	_ =	shalt  }
.Lfunc_end2:
_tile_overlayer_lowered:
.L_overlay_start_2:
0xbe: {  	(tag) =	ssettag $0x2  }
0xbf: {  	s0 =	rddreg [dreg:$0x0];
	s2 =	stileid.u32  }
0xc0: {  	s1 =	rddreg [dreg:$0x1];
	p0 =	sne.s32 s2, $0x0  }
0xc1: {  	s3 =	rddreg [dreg:$0x2];
	[bflag:$0x3] =	sbarrier.arrive $0xFFFF;
	s2 =	simm.s32 @!p0 $0x1C11  }
0xc2: {  	[timem:s3], [sflag:s2] =	dma.local @!p0 [hbm:s0], s1  }
0xc3: {  	s0 =	simm.s32 @!p0 $0x11  }
0xc4: {  	_ =	swait.ge @!p0 [sflag:s0], s1  }
0xc5: {  	s1 =	ssub.s32 @!p0 $0x0, s1;
	[sflag:s0] =	ssyncset.done @!p0 $0x0  }
0xc6: {  	[sflag:s0] =	ssyncadd.s32 @!p0 s1  }
0xc7: {  	[bflag:$0x3] =	sbarrier.arrive $0xFFFF  }
0xc8: {  	_ =	shalt  }

// kernel: sparse-core-data-format-call.cloned.1.call-start
scs
called_computation_lowered:
.L_overlay_start_0:
0x0: {  	s2 =	sld [smem:$0x3FD9]  }
0x1: {  	s3 =	sld [smem:$0x3FFE];
	_ =	sdelay $0x1  }
0x2: {  	s1 =	srdreg.scid  }
0x3: {  	s0 =	sand.u32 $0x1, s1  }
0x4: {  	s18 =	sshll.u32 s0, $0xA;
	s2 =	sadd.s32 s3, s2  }
0x5: {  	s2 =	sadd.s32 s2, s18  }
0x6: {  	[smem:$0x3FC6] =	sst s2  }
0x7: {  	_ = 	snop  }
0x8: {  	s2 =	sld [smem:$0x3FD0];
	(tm) =	ssettm $0x1  }
0x9: {  	s19 =	sld [smem:$0x3FFB];
	_ =	sdelay $0x3  }
0xa: {  	_ =	strace s19  }
0xb: {  	s3 =	sld [smem:$0x3FFC];
	_ =	sdelay $0x3  }
0xc: {  	_ =	strace s3  }
0xd: {  	s3 =	sld [smem:$0x3FFD];
	_ =	sdelay $0x3  }
0xe: {  	_ =	strace s3  }
0xf: {  	_ =	strace $0x8FFFFFFF  }
0x10: {  	s20 =	sld [smem:$0x3FDB];
	_ =	sdelay $0x1  }
0x11: {  	s4 =	simm.s32 $_scs_section_size  }
0x12: {  	s5 =	simm.s32 $_size__tile_overlayer_lowered;
	s6 =	simm.s32 $_tile_overlayer_lowered  }
0x13: {  	s23 =	simm.s32 $0x1BFF;
	s22 =	sshll.u32 s6, $0x1;
	s3 =	sadd.s32 s4, s20  }
0x14: {  	s7 =	simm.s32 $0x0;
	s21 =	sshll.u32 s5, $0x1;
	s5 =	sadd.s32 s22, s3  }
0x15: {  	[timem:s7], [sflag:s23] =	dma.local [hbm:s5], s21  }
0x16: {  	_ =	swait.ge [sflag:s23], s21  }
0x17: {  	s4 =	ssub.s32 $0x0, s21;
	[sflag:s23] =	ssyncset.done $0x0  }
0x18: {  	[sflag:s23] =	ssyncadd.s32 s4;
	_ =	sdelay $0x1  }
0x19: {  	s24 =	simm.s32 $0x1B8B  }
0x1a: {  	_ =	swait.ge [sflag:s24], $0x1  }
0x1b: {  	[sflag:s24] =	ssyncset.done $0x0  }
0x1c: {  	s26 =	simm.s32 $0x1B8E;
	s25 =	sld [smem:$0x3FFE];
	[sflag:s24] =	ssyncadd.s32 $0xFFFFFFFF  }
0x1d: {  	s27 =	simm.s32 $execute0_lowered;
	[smem:$0x3FD2] =	sst s26  }
0x1e: {  	s5 =	sshll.u32 s27, $0x1;
	_ =	strace $0x80000049;
	[dreg:$0x1] =	wrdreg $0xFFFFFFFF  }
0x1f: {  	s28 =	simm.s32 $_size_execute0_lowered;
	s3 =	sadd.s32 s3, s5;
	[dreg:$0x0] =	wrdreg $0x0  }
0x20: {  	s5 =	sshll.u32 s28, $0x1;
	[dreg:$0x2] =	wrdreg s3  }
0x21: {  	[dreg:$0x3] =	wrdreg s5  }
0x22: {  	[dreg:$0x4] =	wrdreg $0xC0  }
0x23: {  	_ =	task [dreg:s7], $0x5FFFF  }
0x24: {  	[dreg:$0x1] =	wrdreg $0xFFFFFFFF  }
0x25: {  	[dreg:$0x0] =	wrdreg $0x60  }
0x26: {  	[dreg:$0x2] =	wrdreg s25  }
0x27: {  	[dreg:$0x3] =	wrdreg s2  }
0x28: {  	[dreg:$0x4] =	wrdreg $0x9  }
0x29: {  	_ =	task.clear_ibuf [dreg:s7], $0x5FFFF;
	_ =	strace $0x90000049  }
0x2a: {  	s29 =	simm.s32 $0x9;
	_ =	strace $0x8000004B  }
0x2b: {  	_ =	swait.ge [sflag:s29], $0x1  }
0x2c: {  	[sflag:s29] =	ssyncadd.s32 $0xFFFFFFFF  }
0x2d: {  	_ =	strace $0x9000004B  }
0x2e: {  	_ =	sfence  }
0x2f: {  	s30 =	sld [smem:$0x0];
	_ =	sdelay $0x2  }
0x30: {  	s31 =	sshll.u32 s1, $0xD;
	s1 =	sshrl.u32 s1, $0x2  }
0x31: {  	s3 =	sand.u32 $0x4000, s31;
	s1 =	sadd.s32 s1, s30  }
0x32: {  	s0 =	sor.u32 s3, s0;
	s1 =	sshll.u32 s1, $0x11  }
0x33: {  	s0 =	sor.u32 s1, s0  }
0x34: {  	s0 =	sadd.s32 $0x8F2B, s0  }
0x35: {  	[sflag:s0] =	ssyncadd.remote.s32 $0x1  }
0x36: {  	_ =	sfence.sel $0xFFFF  }
0x37: {  	[dreg:$0x0] =	wrdreg $0xFFFFFFFF;
	(pc) =	sbr.abs _section_cstart, $3  }
0x38: {  	[dreg:$0x1] =	wrdreg $0xFFFFFFFF  }
0x39: {  	_ =	task.clear_ibuf [dreg:s7], $0x2FFFF;
	_ =	strace $0x9FFFFFFF  }
0x3a: {  	(tm) =	ssettm $0x7FFFFFFF  }
0x3b: {  	_ =	shalt  }
tec
execute0_lowered:
.L_overlay_start_1:
0x0: {  	(tag) =	ssettag $0x1  }
0x1: {  	s0 =	srdreg.scid  }
0x2: {  	s1 =	sshll.u32 s0, $0x4  }
0x3: {  	s0 =	stileid.u32;
	s1 =	sand.u32 $0x10, s1  }
0x4: {  	s1 =	sor.u32 s0, s1  }
0x5: {  	s6 =	rddreg [dreg:$0x0];
	s4 =	simm.s32 $0x1;
	s2 =	sshll.u32 s1, $0x7  }
0x6: {  	s7 =	simm.s32 $0x2;
	s12 =	simm.s32 $0x0;
	s1 =	ssub.s32 $0x1000, s2  }
0x7: {  	s8 =	simm.s32 $0x8000;
	s13 =	simm.s32 $0x0;
	s3 =	sand.u32 $0xF80, s1  }
0x8: {  	s9 =	simm.s32 $0x0;
	s5 =	sshrl.u32 s1, $0xC;
	p0 =	sne.s32 s3, $0x0  }
.Ltmp0:
0x9: {  	s1 =	rddreg [dreg:$0x2];
	s4 =	simm.s32 @!p0 $0x0;
	(pc) =	sbr.rel .LBB1_1-.Ltmp0, $4  }
0xa: {  	s11 =	simm.s32 $0x0;
	s3 =	rddreg [dreg:$0x1];
	s5 =	sadd.s32 s4, s5  }
0xb: {  	_ =	strace $0x8000004A;
	s4 =	simm.s32 $0x1;
	s5 =	smul.u32 $0x32, s5  }
0xc: {  	s6 =	sadd.s32 $0xA00, s6;
	s10 =	smov.u32 s2;
	[sflag:s4] =	ssyncpa.u1 $0x0  }
0xd: {  	p0 =	por $0x0, $0x0;
	[sflag:s7] =	ssyncpa.u1 $0x0;
	s7 =	sor.u32 $0x1, s5  }
.LBB1_4:
0xe: {  	s16 =	sshll.u32 s13, $0x3;
	s17 =	sand.u32 $0x78, s13  }
0xf: {  	s30 =	sand.u32 $0x7E00, s13;
	s12 =	sshll.u32 s12, $0xF;
	s16 =	sand.u32 $0xC00, s16  }
0x10: {  	[tilespmem:s15+$0x810 ss:$0x81] =	vst.msk $0xffff, v2;
	s31 =	sand.u32 $0x7, s13;
	s16 =	sor.u32 s17, s16;
	s17 =	sadd.s32 s3, s30  }
0x11: {  	[tilespmem:s15+$0x1020 ss:$0x81] =	vst.msk $0xffff, v0;
	s13 =	sshll.u32 s31, $0x12;
	s12 =	sadd.s32 s12, s17;
	s16 =	sshrl.u32 s16, $0x3  }
0x12: {  	[tilespmem:s15+$0x0 ss:$0x81] =	vst.msk $0xffff, v1;
	s13 =	sor.u32 $0x400, s13;
	s12 =	sadd.s32 s16, s12  }
0x13: {  	[hbm4b:s12+s13] =	stream.strided.scatter [tilespmem:s14], [sflag:$0x2], $0x2000, s8, s13, $0x20;
	[tilespmem:$0x8080] =	vst v63  }
.LBB1_5:
0x14: {  	s14 =	sadd.s32 $0x1, s9  }
0x15: {  	s12 =	sadd.s32 $0x1000, s10;
	s16 =	smov.u32 s10;
	p2 =	sgt.s32 s14, $0x31  }
0x16: {  	s16 =	smov.u32 @p2 s12  }
0x17: {  	s14 =	simm.s32 @p2 $0x0;
	p2 =	sgt.s32 s16, $0xFFF  }
0x18: {  	s16 =	smov.u32 @p2 s2;
	p2 =	sne.s32 s11, s7  }
.Ltmp1:
0x19: {  	p1 =	slt.u32 s11, $0x2;
	(pc) =	sbr.rel @!p2 .LBB1_6-.Ltmp1, $4  }
0x1a: {  	s15 =	simm.s32 @!p1 $0x2  }
0x1b: {  	s13 =	smov.u32 s10;
	p0 =	por !p0, !p0;
	_ =	swait.ge @!p1 [sflag:s15], $0x2000  }
0x1c: {  	s12 =	smov.u32 s9;
	[sflag:s15] =	ssyncset.done @!p1 $0x0;
	s9 =	smov.u32 s14  }
0x1d: {  	s11 =	sadd.s32 $0x1, s11;
	[sflag:s15] =	ssyncadd.s32 @!p1 $0xFFFFE000;
	s10 =	smov.u32 s16  }
.LBB1_1:
0x1e: {  	p1 =	sge.u32 s11, s5  }
0x1f: {  	s14 =	sand.u32 @!p1 $0x1FFFFFF, s9  }
0x20: {  	s15 =	smulhi.u32 @!p1 $0x4924925, s14;
	_ =	sdelay $0x1  }
0x21: {  	s15 =	smul.u32 @!p1 $0x38, s15  }
0x22: {  	s16 =	sxor.u32 @!p1 $0xFFFFFFFF, s11;
	s17 =	smul.u32 @!p1 $0x380, s10  }
0x23: {  	s31 =	sadd.s32 $0xFFFFFFFF, s11;
	s16 =	sshll.u32 @!p1 s16, $0xD;
	s14 =	ssub.s32 @!p1 s14, s15  }
0x24: {  	s15 =	sand.u32 @!p1 $0x2000, s16;
	s16 =	sadd.s32 @!p1 s6, s17;
	s14 =	sshll.u32 @!p1 s14, $0x4  }
0x25: {  	s17 =	simm.s32 @!p1 $0x1C00;
	s14 =	sadd.s32 @!p1 s14, s16;
	s16 =	simm.s32 @!p1 $0x40  }
0x26: {  	[tilespmem:s15], [sflag:$0x1] =	stream.strided.gather @!p1 [hbm4b:s14+s16], $0x2000, s17, s16, $0x38;
	[tilespmem:$0x8080] =	vst v63  }
0x27: {  	p1 =	sge.u32 s31, s5  }
.Ltmp2:
0x28: {  	_ = 	snop;
	(pc) =	sbr.rel @p1 .LBB1_5-.Ltmp2, $1  }
0x29: {  	_ =	sdelay $0x3  }
0x2a: {  	s14 =	simm.s32 $0x1  }
0x2b: {  	_ =	swait.ge [sflag:s4], $0x2000;
	s14 =	simm.s32 @!p0 $0x0  }
0x2c: {  	[sflag:s4] =	ssyncset.done $0x0;
	s15 =	sshll.u32 s14, $0xD  }
0x2d: {  	[sflag:s4] =	ssyncadd.s32 $0xFFFFE000;
	s18 =	sor.u32 $0x20, s15  }
0x2e: {  	s14 =	smul.u32 $0x8100, s14;
	v3 =	vld [tilespmem:s18+$0x10]  }
0x2f: {  	s30 =	sand.u32 $0x1, s11;
	v2 =	vld [tilespmem:s18+$0xFFFFFFF0]  }
0x30: {  	s15 =	smul.u32 $0x8100, s30;
	s14 =	sshrl.u32 s14, $0x2;
	v0 =	vld [tilespmem:s18+$0x0]  }
0x31: {  	v1 =	vld [tilespmem:s18+$0xFFFFFFE0];
	s16 =	sor.u32 $0x4000, s14  }
0x32: {  	s31 =	sshrl.u32 s15, $0x2;
	s15 =	sadd.s32 $0x0, s16  }
0x33: {  	s17 =	simm.s32 $0x4;
	s18 =	sadd.s32 $0x40, s18;
	s14 =	sor.u32 $0x4000, s31;
	[tilespmem:s15+$0x1830 ss:$0x81] =	vst.msk $0xffff, v3  }
.LBB1_3:
0x34: {  	v3 =	vld [tilespmem:s18+$0x10];
	p1 =	sne.s32 s17, $0x1FC;
	[tilespmem:s15+$0x810 ss:$0x81] =	vst.msk $0xffff, v2;
	s19 =	smov.u32 s17;
	s17 =	sadd.s32 $0x4, s17  }
.Ltmp3:
0x35: {  	v2 =	vld [tilespmem:s18+$0xFFFFFFF0];
	[tilespmem:s15+$0x1020 ss:$0x81] =	vst.msk $0xffff, v0;
	(pc) =	sbr.rel @p1 .LBB1_3-.Ltmp3, $4  }
0x36: {  	v0 =	vld [tilespmem:s18+$0x0];
	[tilespmem:s15+$0x0 ss:$0x81] =	vst.msk $0xffff, v1  }
0x37: {  	s15 =	sshra.s32 s19, $0x2;
	v1 =	vld [tilespmem:s18+$0xFFFFFFE0]  }
0x38: {  	s15 =	sadd.s32 s15, s16  }
0x39: {  	s18 =	sadd.s32 $0x40, s18;
	[tilespmem:s15+$0x1830 ss:$0x81] =	vst.msk $0xffff, v3  }
.Ltmp4:
0x3a: {  	_ = 	snop;
	(pc) =	sbr.rel .LBB1_4-.Ltmp4, $1  }
0x3b: {  	_ =	sdelay $0x3  }
.LBB1_6:
0x3c: {  	_ =	sfence.sel $0x180000  }
0x3d: {  	s2 =	simm.s32 $0x1;
	[bflag:$0x0] =	sbarrier.arrive $0xFFFF  }
0x3e: {  	s31 =	simm.s32 $0x2;
	[sflag:s2] =	ssyncpa.u1 $0x1  }
0x3f: {  	[sflag:s31] =	ssyncpa.u1 $0x1  }
0x40: {  	p0 =	sne.s32 s0, $0x0;
	_ =	strace $0x9000004A  }
0x41: {  	s0 =	sadd.s32 @!p0 $0x100000, s1;
	[bflag:$0x2] =	sbarrier.arrive $0xFFFF  }
0x42: {  	[sflag:s0] =	ssyncadd.tile.s32 @!p0 $0x1;
	_ =	shalt  }
.Lfunc_end1:
_tile_overlayer_lowered:
.L_overlay_start_2:
0x43: {  	(tag) =	ssettag $0x2  }
0x44: {  	s0 =	rddreg [dreg:$0x0];
	s2 =	stileid.u32  }
0x45: {  	s1 =	rddreg [dreg:$0x1];
	p0 =	sne.s32 s2, $0x0  }
0x46: {  	s3 =	rddreg [dreg:$0x2];
	[bflag:$0x3] =	sbarrier.arrive $0xFFFF;
	s2 =	simm.s32 @!p0 $0x1C01  }
0x47: {  	[timem:s3], [sflag:s2] =	dma.local @!p0 [hbm:s0], s1  }
0x48: {  	s0 =	simm.s32 @!p0 $0x1  }
0x49: {  	_ =	swait.ge @!p0 [sflag:s0], s1  }
0x4a: {  	s1 =	ssub.s32 @!p0 $0x0, s1;
	[sflag:s0] =	ssyncset.done @!p0 $0x0  }
0x4b: {  	[sflag:s0] =	ssyncadd.s32 @!p0 s1  }
0x4c: {  	[bflag:$0x3] =	sbarrier.arrive $0xFFFF  }
0x4d: {  	_ =	shalt  }

</sc_bundles>
